<compile_context>
chip_gen: v7x
topology: tpu7x:2x2x1
jax: 0.10.2.dev20260603
libtpu: 0.0.44.dev20260713+nightly
codegen_flags: <defaults>
</compile_context>

<pallas_src>
import functools

import jax
import jax.numpy as jnp
from jax import lax
from jax.experimental import pallas as pl
from jax.experimental.pallas import tpu as pltpu
from jax.experimental.pallas import tpu_sc as plsc

_B, _M, _N, _H = 32, 16, 4096, 16
_CLIP = 10.0
_NW = 32
_RPW = _B * _M // _NW
_L = 16
_NCH = _N // _L
_UNROLL = 8


def _score_body(dist_ref, theta_ref, x_ref, y_ref, dem_ref,
                w1_ref, b1_ref, w2_ref, b2_ref, score_ref):
    bf16 = jnp.bfloat16
    dist = dist_ref[0]
    theta = theta_ref[0]
    x = x_ref[0]
    y = y_ref[0]
    dem = dem_ref[0]

    cos_t = jnp.cos(theta)
    sin_t = jnp.sin(theta)

    w1t = w1_ref[...].T
    w2t = w2_ref[...].T
    b1c = b1_ref[...].T
    dem_b, x_b, y_b = (v.astype(bf16) for v in (dem, x, y))

    rows = []
    for m in range(_M):
        featT = jnp.concatenate(
            [dist[m:m + 1].astype(bf16), theta[m:m + 1].astype(bf16),
             cos_t[m:m + 1].astype(bf16), sin_t[m:m + 1].astype(bf16),
             dem_b, x_b, y_b], axis=0)
        a = jax.lax.dot_general(
            w1t, featT, (((1,), (0,)), ((), ())),
            preferred_element_type=jnp.float32) + b1c
        hb = jnp.tanh(a).astype(bf16)
        um = jax.lax.dot_general(
            w2t, hb, (((1,), (0,)), ((), ())),
            preferred_element_type=jnp.float32)
        rows.append(um)
    u = jnp.concatenate(rows, axis=0) + b2_ref[0, 0]

    score_ref[0] = _CLIP * jnp.tanh(u)


def _tc_score(cur_dist, cur_theta, x, y, dem, W1, b1, W2, b2):
    row = lambda b: (b, 0, 0)
    mat = lambda b: (0, 0)
    return pl.pallas_call(
        _score_body,
        grid=(_B,),
        in_specs=[
            pl.BlockSpec((1, _M, _N), row),
            pl.BlockSpec((1, _M, _N), row),
            pl.BlockSpec((1, 1, _N), row),
            pl.BlockSpec((1, 1, _N), row),
            pl.BlockSpec((1, 1, _N), row),
            pl.BlockSpec((7, _H), mat),
            pl.BlockSpec((1, _H), mat),
            pl.BlockSpec((_H, 1), mat),
            pl.BlockSpec((1, 1), mat),
        ],
        out_specs=pl.BlockSpec((1, _M, _N), row),
        out_shape=jax.ShapeDtypeStruct((_B, _M, _N), jnp.float32),
    )(cur_dist, cur_theta, x, y, dem, W1, b1, W2, b2)


def _sample_body(score_hbm, noise_hbm, sel_hbm, prob_hbm,
                 s_vmem, n_vmem, sel_vmem, prob_vmem):
    wid = lax.axis_index("s") * 2 + lax.axis_index("c")
    base = wid * _RPW
    lanes = lax.iota(jnp.int32, _L)

    def row_step(r, accs):
        sel_acc, prob_acc = accs
        row = base + r
        pltpu.sync_copy(score_hbm.at[row], s_vmem)
        pltpu.sync_copy(noise_hbm.at[row], n_vmem)

        def chunk_step(j, carry):
            zbest, cbest, smax = carry
            for k in range(_UNROLL):
                i = j * _UNROLL + k
                s = s_vmem[pl.ds(i * _L, _L)]
                z = s + n_vmem[pl.ds(i * _L, _L)]
                upd = z > zbest
                zbest = jnp.where(upd, z, zbest)
                cbest = jnp.where(upd, jnp.full((_L,), i, jnp.int32), cbest)
                smax = jnp.maximum(smax, s)
            return zbest, cbest, smax

        zbest, cbest, smax = lax.fori_loop(
            0, _NCH // _UNROLL, chunk_step,
            (jnp.full((_L,), -jnp.inf, jnp.float32),
             jnp.zeros((_L,), jnp.int32),
             jnp.full((_L,), -jnp.inf, jnp.float32)))

        zmax = jnp.max(zbest)
        cand = jnp.where(zbest == zmax, cbest * _L + lanes,
                         jnp.full((_L,), _N, jnp.int32))
        sel = jnp.min(cand)
        mx = jnp.max(smax)

        def sum_step(j, acc):
            for k in range(_UNROLL):
                i = j * _UNROLL + k
                acc = acc + jnp.exp(s_vmem[pl.ds(i * _L, _L)] - mx)
            return acc

        esum = jnp.sum(lax.fori_loop(
            0, _NCH // _UNROLL, sum_step, jnp.zeros((_L,), jnp.float32)))
        s_sel = plsc.load_gather(s_vmem, [jnp.full((_L,), sel, jnp.int32)])
        prob_vec = (jnp.exp(s_sel - jnp.full((_L,), mx, jnp.float32))
                    / jnp.full((_L,), esum, jnp.float32))

        sel_acc = jnp.where(lanes == r, jnp.full((_L,), sel, jnp.int32),
                            sel_acc)
        prob_acc = jnp.where(lanes == r, prob_vec, prob_acc)
        return sel_acc, prob_acc

    sel_acc, prob_acc = lax.fori_loop(
        0, _RPW, row_step,
        (jnp.zeros((_L,), jnp.int32), jnp.zeros((_L,), jnp.float32)))
    sel_vmem[...] = sel_acc
    prob_vmem[...] = prob_acc
    pltpu.sync_copy(sel_vmem, sel_hbm.at[pl.ds(base, _RPW)])
    pltpu.sync_copy(prob_vmem, prob_hbm.at[pl.ds(base, _RPW)])


def _sc_sample(score2d, noise2d):
    mesh = plsc.VectorSubcoreMesh(core_axis_name="c", subcore_axis_name="s")
    kern = pl.kernel(
        _sample_body,
        mesh=mesh,
        compiler_params=pltpu.CompilerParams(needs_layout_passes=False),
        out_type=[jax.ShapeDtypeStruct((_B * _M,), jnp.int32),
                  jax.ShapeDtypeStruct((_B * _M,), jnp.float32)],
        scratch_types=[
            pltpu.VMEM((_N,), jnp.float32),
            pltpu.VMEM((_N,), jnp.float32),
            pltpu.VMEM((_L,), jnp.int32),
            pltpu.VMEM((_L,), jnp.float32),
        ],
    )
    return kern(score2d, noise2d)


def kernel(cur_dist, cur_theta, xy, norm_demand, ninf_mask, W1, b1, W2, b2):
    del ninf_mask
    noise = jax.random.gumbel(jax.random.key(1), (_B * _M, _N), jnp.float32)
    x = xy[:, :, 0].reshape(_B, 1, _N)
    y = xy[:, :, 1].reshape(_B, 1, _N)
    dem = norm_demand.reshape(_B, 1, _N)

    score = _tc_score(cur_dist, cur_theta, x, y, dem,
                      W1, b1.reshape(1, _H), W2, b2.reshape(1, 1))
    sel, prob = _sc_sample(score.reshape(_B * _M, _N), noise)
    return sel.reshape(_B, _M), prob.reshape(_B, _M)

# --- scband reference (transcript-rebuilt; emitter-appended) ---
"""Pipeline reference for scband-cvrpmodel-local-50697793962839 (READ-ONLY COPY).

The authoritative reference and input builder live on the scoring server;
editing this copy changes nothing except your own understanding.
"""

import jax, jax.numpy as jnp
import numpy as np

B, M, N, H = 32, 16, 4096, 16
LOGIT_CLIPPING = 10.0


def setup_inputs(seed: int = 0) -> dict:
    key = jax.random.key(seed)
    ks = jax.random.split(key, 8)
    cur_dist = jax.random.uniform(ks[0], (B, M, N), dtype=jnp.float32)
    cur_theta = jax.random.uniform(ks[1], (B, M, N), dtype=jnp.float32) * 2.0 * jnp.pi
    xy = jax.random.uniform(ks[2], (B, N, 2), dtype=jnp.float32)
    norm_demand = jax.random.uniform(ks[3], (B, N), dtype=jnp.float32)
    ninf_mask = jnp.zeros((B, M, N), dtype=jnp.float32)
    # learned parameters of local_policy_att (small MLP scorer over local features)
    W1 = jax.random.normal(ks[4], (7, H), dtype=jnp.float32) * 0.1
    b1 = jnp.zeros((H,), dtype=jnp.float32)
    W2 = jax.random.normal(ks[5], (H, 1), dtype=jnp.float32) * 0.1
    b2 = jnp.zeros((1,), dtype=jnp.float32)
    return {"cur_dist": cur_dist, "cur_theta": cur_theta, "xy": xy,
            "norm_demand": norm_demand, "ninf_mask": ninf_mask,
            "W1": W1, "b1": b1, "W2": W2, "b2": b2}


def _local_policy(dist, theta, xy, norm_demand, W1, b1, W2, b2):
    Bb, Mm, Nn = dist.shape
    demand = jnp.broadcast_to(norm_demand[:, None, :], (Bb, Mm, Nn))
    x = jnp.broadcast_to(xy[:, None, :, 0], (Bb, Mm, Nn))
    y = jnp.broadcast_to(xy[:, None, :, 1], (Bb, Mm, Nn))
    feat = jnp.stack([dist, theta, jnp.cos(theta), jnp.sin(theta), demand, x, y], axis=-1)
    h = jnp.tanh(feat @ W1 + b1)
    u = (h @ W2 + b2)[..., 0]
    return u


def reference(cur_dist, cur_theta, xy, norm_demand, ninf_mask, W1, b1, W2, b2):
    # selected_count > 1 branch, eval_type == 'sample'
    u_local = _local_policy(cur_dist, cur_theta, xy, norm_demand, W1, b1, W2, b2)
    score_clipped = LOGIT_CLIPPING * jnp.tanh(u_local)
    score_masked = score_clipped + ninf_mask
    probs = jax.nn.softmax(score_masked, axis=2)
    Bb, Mm, Nn = score_masked.shape
    # multinomial sampling over probs == categorical over masked logits
    selected = jax.random.categorical(
        jax.random.key(1), score_masked.reshape(Bb * Mm, Nn), axis=-1
    ).reshape(Bb, Mm)
    prob = jnp.take_along_axis(probs, selected[:, :, None], axis=2)[..., 0]
    # if not (prob != 0).all(): prob += 1e-6
    flag = jnp.any(prob == 0).astype(prob.dtype)
    prob = prob + 1e-06 * flag
    return (selected, prob)

if __name__ == "__main__":
    import jax
    _d = setup_inputs()
    print(jax.jit(kernel)(*tuple(_d.values())))

</pallas_src>

<mosaic_0001>
#map = affine_map<(d0, d1) -> (0, 0)>
#map1 = affine_map<(d0, d1) -> (0)>
module attributes {stable_mosaic.version = 14 : i64} {
  func.func @_sample_body(%arg0: i32, %arg1: i32, %arg2: memref<512x4096xf32, #tpu.memory_space<hbm>>, %arg3: memref<512x4096xf32, #tpu.memory_space<hbm>>, %arg4: memref<512xi32, #tpu.memory_space<hbm>>, %arg5: memref<512xf32, #tpu.memory_space<hbm>>, %arg6: memref<4096xf32, #tpu.memory_space<vmem>>, %arg7: memref<4096xf32, #tpu.memory_space<vmem>>, %arg8: memref<16xi32, #tpu.memory_space<vmem>>, %arg9: memref<16xf32, #tpu.memory_space<vmem>>) attributes {dimension_semantics = [#tpu.dimension_semantics<core_parallel>, #tpu.dimension_semantics<subcore_parallel>], iteration_bounds = array<i64: 2, 16>, scalar_prefetch = 0 : i64, scratch_operands = 4 : i64, tpu.core_type = #tpu.core_type<sc_vector_subcore>, window_params = [{transform_indices = #map}, {transform_indices = #map}, {transform_indices = #map1}, {transform_indices = #map1}]} {
    %mul3A = arith.constant 2 : i32
    %mul3A_0 = arith.muli %arg1, %mul3A : i32
    %add3A = arith.addi %mul3A_0, %arg0 : i32
    %mul3A_1 = arith.constant 16 : i32
    %mul3A_2 = arith.muli %add3A, %mul3A_1 : i32
    %iota3A = tpu.iota {dimensions = array<i32: 0>} : vector<16xi32>
    %broadcast_in_dim3A = arith.constant 0 : i32
    %broadcast_in_dim3A_3 = vector.broadcast %broadcast_in_dim3A : i32 to vector<16xi32>
    %broadcast_in_dim3A_4 = arith.constant 0.000000e+00 : f32
    %broadcast_in_dim3A_5 = vector.broadcast %broadcast_in_dim3A_4 : f32 to vector<16xf32>
    %scan3A = arith.constant 0 : i32
    %scan3A_6 = arith.constant 16 : i32
    %scan3A_7 = arith.addi %scan3A, %scan3A_6 : i32
    %scan3A_8 = arith.constant 1 : i32
    %scan3A_9:2 = scf.for %scan3A_14 = %scan3A to %scan3A_7 step %scan3A_8 iter_args(%scan3A_15 = %broadcast_in_dim3A_3, %scan3A_16 = %broadcast_in_dim3A_5) -> (vector<16xi32>, vector<16xf32>)  : i32 {
      %add3A_17 = arith.addi %mul3A_2, %scan3A_14 : i32
      "tpu.region"() ({
        %run_scoped3A = tpu.sem_alloc : memref<!tpu.dma_semaphore, #tpu.memory_space<semaphore_mem>>
        %dma_start3A = arith.constant 0 : i32
        %dma_start3A_72 = tpu.memref_slice %arg2[%add3A_17, %dma_start3A] : memref<512x4096xf32, #tpu.memory_space<hbm>> -> memref<1x4096xf32, #tpu.memory_space<hbm>>
        %dma_start3A_73 = tpu.memref_squeeze %dma_start3A_72 : memref<1x4096xf32, #tpu.memory_space<hbm>> -> memref<4096xf32, #tpu.memory_space<hbm>>
        %dma_start3A_74 = arith.constant 0 : i32
        %dma_start3A_75 = tpu.memref_slice %arg2[%add3A_17, %dma_start3A_74] : memref<512x4096xf32, #tpu.memory_space<hbm>> -> memref<1x4096xf32, #tpu.memory_space<hbm>>
        %dma_start3A_76 = tpu.memref_squeeze %dma_start3A_75 : memref<1x4096xf32, #tpu.memory_space<hbm>> -> memref<4096xf32, #tpu.memory_space<hbm>>
        tpu.enqueue_dma source(%dma_start3A_76 : memref<4096xf32, #tpu.memory_space<hbm>>) target(%arg6 : memref<4096xf32, #tpu.memory_space<vmem>>) target_semaphore(%run_scoped3A : memref<!tpu.dma_semaphore, #tpu.memory_space<semaphore_mem>>)
        %dma_wait3A = arith.constant 0 : i32
        %dma_wait3A_77 = tpu.memref_slice %arg2[%add3A_17, %dma_wait3A] : memref<512x4096xf32, #tpu.memory_space<hbm>> -> memref<1x4096xf32, #tpu.memory_space<hbm>>
        %dma_wait3A_78 = tpu.memref_squeeze %dma_wait3A_77 : memref<1x4096xf32, #tpu.memory_space<hbm>> -> memref<4096xf32, #tpu.memory_space<hbm>>
        %dma_wait3A_79 = arith.constant 0 : i32
        %dma_wait3A_80 = tpu.memref_slice %arg2[%add3A_17, %dma_wait3A_79] : memref<512x4096xf32, #tpu.memory_space<hbm>> -> memref<1x4096xf32, #tpu.memory_space<hbm>>
        %dma_wait3A_81 = tpu.memref_squeeze %dma_wait3A_80 : memref<1x4096xf32, #tpu.memory_space<hbm>> -> memref<4096xf32, #tpu.memory_space<hbm>>
        tpu.wait_dma2 semaphore(%run_scoped3A : memref<!tpu.dma_semaphore, #tpu.memory_space<semaphore_mem>>) src(%dma_wait3A_81 : memref<4096xf32, #tpu.memory_space<hbm>>) dst(%arg6 : memref<4096xf32, #tpu.memory_space<vmem>>)
        tpu.yield
      }) : () -> ()
      "tpu.region"() ({
        %run_scoped3A = tpu.sem_alloc : memref<!tpu.dma_semaphore, #tpu.memory_space<semaphore_mem>>
        %dma_start3A = arith.constant 0 : i32
        %dma_start3A_72 = tpu.memref_slice %arg3[%add3A_17, %dma_start3A] : memref<512x4096xf32, #tpu.memory_space<hbm>> -> memref<1x4096xf32, #tpu.memory_space<hbm>>
        %dma_start3A_73 = tpu.memref_squeeze %dma_start3A_72 : memref<1x4096xf32, #tpu.memory_space<hbm>> -> memref<4096xf32, #tpu.memory_space<hbm>>
        %dma_start3A_74 = arith.constant 0 : i32
        %dma_start3A_75 = tpu.memref_slice %arg3[%add3A_17, %dma_start3A_74] : memref<512x4096xf32, #tpu.memory_space<hbm>> -> memref<1x4096xf32, #tpu.memory_space<hbm>>
        %dma_start3A_76 = tpu.memref_squeeze %dma_start3A_75 : memref<1x4096xf32, #tpu.memory_space<hbm>> -> memref<4096xf32, #tpu.memory_space<hbm>>
        tpu.enqueue_dma source(%dma_start3A_76 : memref<4096xf32, #tpu.memory_space<hbm>>) target(%arg7 : memref<4096xf32, #tpu.memory_space<vmem>>) target_semaphore(%run_scoped3A : memref<!tpu.dma_semaphore, #tpu.memory_space<semaphore_mem>>)
        %dma_wait3A = arith.constant 0 : i32
        %dma_wait3A_77 = tpu.memref_slice %arg3[%add3A_17, %dma_wait3A] : memref<512x4096xf32, #tpu.memory_space<hbm>> -> memref<1x4096xf32, #tpu.memory_space<hbm>>
        %dma_wait3A_78 = tpu.memref_squeeze %dma_wait3A_77 : memref<1x4096xf32, #tpu.memory_space<hbm>> -> memref<4096xf32, #tpu.memory_space<hbm>>
        %dma_wait3A_79 = arith.constant 0 : i32
        %dma_wait3A_80 = tpu.memref_slice %arg3[%add3A_17, %dma_wait3A_79] : memref<512x4096xf32, #tpu.memory_space<hbm>> -> memref<1x4096xf32, #tpu.memory_space<hbm>>
        %dma_wait3A_81 = tpu.memref_squeeze %dma_wait3A_80 : memref<1x4096xf32, #tpu.memory_space<hbm>> -> memref<4096xf32, #tpu.memory_space<hbm>>
        tpu.wait_dma2 semaphore(%run_scoped3A : memref<!tpu.dma_semaphore, #tpu.memory_space<semaphore_mem>>) src(%dma_wait3A_81 : memref<4096xf32, #tpu.memory_space<hbm>>) dst(%arg7 : memref<4096xf32, #tpu.memory_space<vmem>>)
        tpu.yield
      }) : () -> ()
      %broadcast_in_dim3A_18 = arith.constant 0xFF800000 : f32
      %broadcast_in_dim3A_19 = vector.broadcast %broadcast_in_dim3A_18 : f32 to vector<16xf32>
      %broadcast_in_dim3A_20 = arith.constant 0 : i32
      %broadcast_in_dim3A_21 = vector.broadcast %broadcast_in_dim3A_20 : i32 to vector<16xi32>
      %broadcast_in_dim3A_22 = arith.constant 0xFF800000 : f32
      %broadcast_in_dim3A_23 = vector.broadcast %broadcast_in_dim3A_22 : f32 to vector<16xf32>
      %scan3A_24 = arith.constant 0 : i32
      %scan3A_25 = arith.constant 32 : i32
      %scan3A_26 = arith.addi %scan3A_24, %scan3A_25 : i32
      %scan3A_27 = arith.constant 1 : i32
      %scan3A_28:3 = scf.for %scan3A_72 = %scan3A_24 to %scan3A_26 step %scan3A_27 iter_args(%scan3A_73 = %broadcast_in_dim3A_19, %scan3A_74 = %broadcast_in_dim3A_21, %scan3A_75 = %broadcast_in_dim3A_23) -> (vector<16xf32>, vector<16xi32>, vector<16xf32>)  : i32 {
        %mul3A_76 = arith.constant 8 : i32
        %mul3A_77 = arith.muli %scan3A_72, %mul3A_76 : i32
        %add3A_78 = arith.constant 0 : i32
        %add3A_79 = arith.addi %mul3A_77, %add3A_78 : i32
        %mul3A_80 = arith.constant 16 : i32
        %mul3A_81 = arith.muli %add3A_79, %mul3A_80 : i32
        %get3A = arith.index_cast %mul3A_81 : i32 to index
        %get3A_82 = tpu.vector_load %arg6[%get3A] {strides = array<i32>} : memref<4096xf32, #tpu.memory_space<vmem>>, vector<16xf32>,
        %mul3A_83 = arith.constant 16 : i32
        %mul3A_84 = arith.muli %add3A_79, %mul3A_83 : i32
        %get3A_85 = arith.index_cast %mul3A_84 : i32 to index
        %get3A_86 = tpu.vector_load %arg7[%get3A_85] {strides = array<i32>} : memref<4096xf32, #tpu.memory_space<vmem>>, vector<16xf32>,
        %add3A_87 = arith.addf %get3A_82, %get3A_86 : vector<16xf32>
        %gt3A = arith.cmpf ogt, %add3A_87, %scan3A_73 : vector<16xf32>
        %select_n3A_88 = arith.select %gt3A, %add3A_87, %scan3A_73 : vector<16xi1>, vector<16xf32>
        %broadcast_in_dim3A_89 = vector.broadcast %add3A_79 : i32 to vector<16xi32>
        %select_n3A_90 = arith.select %gt3A, %broadcast_in_dim3A_89, %scan3A_74 : vector<16xi1>, vector<16xi32>
        %max3A = arith.maximumf %scan3A_75, %get3A_82 : vector<16xf32>
        %mul3A_91 = arith.constant 8 : i32
        %mul3A_92 = arith.muli %scan3A_72, %mul3A_91 : i32
        %add3A_93 = arith.constant 1 : i32
        %add3A_94 = arith.addi %mul3A_92, %add3A_93 : i32
        %mul3A_95 = arith.constant 16 : i32
        %mul3A_96 = arith.muli %add3A_94, %mul3A_95 : i32
        %get3A_97 = arith.index_cast %mul3A_96 : i32 to index
        %get3A_98 = tpu.vector_load %arg6[%get3A_97] {strides = array<i32>} : memref<4096xf32, #tpu.memory_space<vmem>>, vector<16xf32>,
        %mul3A_99 = arith.constant 16 : i32
        %mul3A_100 = arith.muli %add3A_94, %mul3A_99 : i32
        %get3A_101 = arith.index_cast %mul3A_100 : i32 to index
        %get3A_102 = tpu.vector_load %arg7[%get3A_101] {strides = array<i32>} : memref<4096xf32, #tpu.memory_space<vmem>>, vector<16xf32>,
        %add3A_103 = arith.addf %get3A_98, %get3A_102 : vector<16xf32>
        %gt3A_104 = arith.cmpf ogt, %add3A_103, %select_n3A_88 : vector<16xf32>
        %select_n3A_105 = arith.select %gt3A_104, %add3A_103, %select_n3A_88 : vector<16xi1>, vector<16xf32>
        %broadcast_in_dim3A_106 = vector.broadcast %add3A_94 : i32 to vector<16xi32>
        %select_n3A_107 = arith.select %gt3A_104, %broadcast_in_dim3A_106, %select_n3A_90 : vector<16xi1>, vector<16xi32>
        %max3A_108 = arith.maximumf %max3A, %get3A_98 : vector<16xf32>
        %mul3A_109 = arith.constant 8 : i32
        %mul3A_110 = arith.muli %scan3A_72, %mul3A_109 : i32
        %add3A_111 = arith.constant 2 : i32
        %add3A_112 = arith.addi %mul3A_110, %add3A_111 : i32
        %mul3A_113 = arith.constant 16 : i32
        %mul3A_114 = arith.muli %add3A_112, %mul3A_113 : i32
        %get3A_115 = arith.index_cast %mul3A_114 : i32 to index
        %get3A_116 = tpu.vector_load %arg6[%get3A_115] {strides = array<i32>} : memref<4096xf32, #tpu.memory_space<vmem>>, vector<16xf32>,
        %mul3A_117 = arith.constant 16 : i32
        %mul3A_118 = arith.muli %add3A_112, %mul3A_117 : i32
        %get3A_119 = arith.index_cast %mul3A_118 : i32 to index
        %get3A_120 = tpu.vector_load %arg7[%get3A_119] {strides = array<i32>} : memref<4096xf32, #tpu.memory_space<vmem>>, vector<16xf32>,
        %add3A_121 = arith.addf %get3A_116, %get3A_120 : vector<16xf32>
        %gt3A_122 = arith.cmpf ogt, %add3A_121, %select_n3A_105 : vector<16xf32>
        %select_n3A_123 = arith.select %gt3A_122, %add3A_121, %select_n3A_105 : vector<16xi1>, vector<16xf32>
        %broadcast_in_dim3A_124 = vector.broadcast %add3A_112 : i32 to vector<16xi32>
        %select_n3A_125 = arith.select %gt3A_122, %broadcast_in_dim3A_124, %select_n3A_107 : vector<16xi1>, vector<16xi32>
        %max3A_126 = arith.maximumf %max3A_108, %get3A_116 : vector<16xf32>
        %mul3A_127 = arith.constant 8 : i32
        %mul3A_128 = arith.muli %scan3A_72, %mul3A_127 : i32
        %add3A_129 = arith.constant 3 : i32
        %add3A_130 = arith.addi %mul3A_128, %add3A_129 : i32
        %mul3A_131 = arith.constant 16 : i32
        %mul3A_132 = arith.muli %add3A_130, %mul3A_131 : i32
        %get3A_133 = arith.index_cast %mul3A_132 : i32 to index
        %get3A_134 = tpu.vector_load %arg6[%get3A_133] {strides = array<i32>} : memref<4096xf32, #tpu.memory_space<vmem>>, vector<16xf32>,
        %mul3A_135 = arith.constant 16 : i32
        %mul3A_136 = arith.muli %add3A_130, %mul3A_135 : i32
        %get3A_137 = arith.index_cast %mul3A_136 : i32 to index
        %get3A_138 = tpu.vector_load %arg7[%get3A_137] {strides = array<i32>} : memref<4096xf32, #tpu.memory_space<vmem>>, vector<16xf32>,
        %add3A_139 = arith.addf %get3A_134, %get3A_138 : vector<16xf32>
        %gt3A_140 = arith.cmpf ogt, %add3A_139, %select_n3A_123 : vector<16xf32>
        %select_n3A_141 = arith.select %gt3A_140, %add3A_139, %select_n3A_123 : vector<16xi1>, vector<16xf32>
        %broadcast_in_dim3A_142 = vector.broadcast %add3A_130 : i32 to vector<16xi32>
        %select_n3A_143 = arith.select %gt3A_140, %broadcast_in_dim3A_142, %select_n3A_125 : vector<16xi1>, vector<16xi32>
        %max3A_144 = arith.maximumf %max3A_126, %get3A_134 : vector<16xf32>
        %mul3A_145 = arith.constant 8 : i32
        %mul3A_146 = arith.muli %scan3A_72, %mul3A_145 : i32
        %add3A_147 = arith.constant 4 : i32
        %add3A_148 = arith.addi %mul3A_146, %add3A_147 : i32
        %mul3A_149 = arith.constant 16 : i32
        %mul3A_150 = arith.muli %add3A_148, %mul3A_149 : i32
        %get3A_151 = arith.index_cast %mul3A_150 : i32 to index
        %get3A_152 = tpu.vector_load %arg6[%get3A_151] {strides = array<i32>} : memref<4096xf32, #tpu.memory_space<vmem>>, vector<16xf32>,
        %mul3A_153 = arith.constant 16 : i32
        %mul3A_154 = arith.muli %add3A_148, %mul3A_153 : i32
        %get3A_155 = arith.index_cast %mul3A_154 : i32 to index
        %get3A_156 = tpu.vector_load %arg7[%get3A_155] {strides = array<i32>} : memref<4096xf32, #tpu.memory_space<vmem>>, vector<16xf32>,
        %add3A_157 = arith.addf %get3A_152, %get3A_156 : vector<16xf32>
        %gt3A_158 = arith.cmpf ogt, %add3A_157, %select_n3A_141 : vector<16xf32>
        %select_n3A_159 = arith.select %gt3A_158, %add3A_157, %select_n3A_141 : vector<16xi1>, vector<16xf32>
        %broadcast_in_dim3A_160 = vector.broadcast %add3A_148 : i32 to vector<16xi32>
        %select_n3A_161 = arith.select %gt3A_158, %broadcast_in_dim3A_160, %select_n3A_143 : vector<16xi1>, vector<16xi32>
        %max3A_162 = arith.maximumf %max3A_144, %get3A_152 : vector<16xf32>
        %mul3A_163 = arith.constant 8 : i32
        %mul3A_164 = arith.muli %scan3A_72, %mul3A_163 : i32
        %add3A_165 = arith.constant 5 : i32
        %add3A_166 = arith.addi %mul3A_164, %add3A_165 : i32
        %mul3A_167 = arith.constant 16 : i32
        %mul3A_168 = arith.muli %add3A_166, %mul3A_167 : i32
        %get3A_169 = arith.index_cast %mul3A_168 : i32 to index
        %get3A_170 = tpu.vector_load %arg6[%get3A_169] {strides = array<i32>} : memref<4096xf32, #tpu.memory_space<vmem>>, vector<16xf32>,
        %mul3A_171 = arith.constant 16 : i32
        %mul3A_172 = arith.muli %add3A_166, %mul3A_171 : i32
        %get3A_173 = arith.index_cast %mul3A_172 : i32 to index
        %get3A_174 = tpu.vector_load %arg7[%get3A_173] {strides = array<i32>} : memref<4096xf32, #tpu.memory_space<vmem>>, vector<16xf32>,
        %add3A_175 = arith.addf %get3A_170, %get3A_174 : vector<16xf32>
        %gt3A_176 = arith.cmpf ogt, %add3A_175, %select_n3A_159 : vector<16xf32>
        %select_n3A_177 = arith.select %gt3A_176, %add3A_175, %select_n3A_159 : vector<16xi1>, vector<16xf32>
        %broadcast_in_dim3A_178 = vector.broadcast %add3A_166 : i32 to vector<16xi32>
        %select_n3A_179 = arith.select %gt3A_176, %broadcast_in_dim3A_178, %select_n3A_161 : vector<16xi1>, vector<16xi32>
        %max3A_180 = arith.maximumf %max3A_162, %get3A_170 : vector<16xf32>
        %mul3A_181 = arith.constant 8 : i32
        %mul3A_182 = arith.muli %scan3A_72, %mul3A_181 : i32
        %add3A_183 = arith.constant 6 : i32
        %add3A_184 = arith.addi %mul3A_182, %add3A_183 : i32
        %mul3A_185 = arith.constant 16 : i32
        %mul3A_186 = arith.muli %add3A_184, %mul3A_185 : i32
        %get3A_187 = arith.index_cast %mul3A_186 : i32 to index
        %get3A_188 = tpu.vector_load %arg6[%get3A_187] {strides = array<i32>} : memref<4096xf32, #tpu.memory_space<vmem>>, vector<16xf32>,
        %mul3A_189 = arith.constant 16 : i32
        %mul3A_190 = arith.muli %add3A_184, %mul3A_189 : i32
        %get3A_191 = arith.index_cast %mul3A_190 : i32 to index
        %get3A_192 = tpu.vector_load %arg7[%get3A_191] {strides = array<i32>} : memref<4096xf32, #tpu.memory_space<vmem>>, vector<16xf32>,
        %add3A_193 = arith.addf %get3A_188, %get3A_192 : vector<16xf32>
        %gt3A_194 = arith.cmpf ogt, %add3A_193, %select_n3A_177 : vector<16xf32>
        %select_n3A_195 = arith.select %gt3A_194, %add3A_193, %select_n3A_177 : vector<16xi1>, vector<16xf32>
        %broadcast_in_dim3A_196 = vector.broadcast %add3A_184 : i32 to vector<16xi32>
        %select_n3A_197 = arith.select %gt3A_194, %broadcast_in_dim3A_196, %select_n3A_179 : vector<16xi1>, vector<16xi32>
        %max3A_198 = arith.maximumf %max3A_180, %get3A_188 : vector<16xf32>
        %mul3A_199 = arith.constant 8 : i32
        %mul3A_200 = arith.muli %scan3A_72, %mul3A_199 : i32
        %add3A_201 = arith.constant 7 : i32
        %add3A_202 = arith.addi %mul3A_200, %add3A_201 : i32
        %mul3A_203 = arith.constant 16 : i32
        %mul3A_204 = arith.muli %add3A_202, %mul3A_203 : i32
        %get3A_205 = arith.index_cast %mul3A_204 : i32 to index
        %get3A_206 = tpu.vector_load %arg6[%get3A_205] {strides = array<i32>} : memref<4096xf32, #tpu.memory_space<vmem>>, vector<16xf32>,
        %mul3A_207 = arith.constant 16 : i32
        %mul3A_208 = arith.muli %add3A_202, %mul3A_207 : i32
        %get3A_209 = arith.index_cast %mul3A_208 : i32 to index
        %get3A_210 = tpu.vector_load %arg7[%get3A_209] {strides = array<i32>} : memref<4096xf32, #tpu.memory_space<vmem>>, vector<16xf32>,
        %add3A_211 = arith.addf %get3A_206, %get3A_210 : vector<16xf32>
        %gt3A_212 = arith.cmpf ogt, %add3A_211, %select_n3A_195 : vector<16xf32>
        %select_n3A_213 = arith.select %gt3A_212, %add3A_211, %select_n3A_195 : vector<16xi1>, vector<16xf32>
        %broadcast_in_dim3A_214 = vector.broadcast %add3A_202 : i32 to vector<16xi32>
        %select_n3A_215 = arith.select %gt3A_212, %broadcast_in_dim3A_214, %select_n3A_197 : vector<16xi1>, vector<16xi32>
        %max3A_216 = arith.maximumf %max3A_198, %get3A_206 : vector<16xf32>
        scf.yield %select_n3A_213, %select_n3A_215, %max3A_216 : vector<16xf32>, vector<16xi32>, vector<16xf32>
      }
      %scan3A_29 = arith.constant 32 : i32
      %reduce_max3A = arith.constant true
      %reduce_max3A_30 = vector.broadcast %reduce_max3A : i1 to vector<16xi1>
      %reduce_max3A_31 = tpu.scan <max>, %scan3A_28#0 masked %reduce_max3A_30 : vector<16xf32>, vector<16xi1> -> vector<16xf32>
      %reduce_max3A_32 = vector.extract %reduce_max3A_31[15] : f32 from vector<16xf32>
      %eq3A = vector.broadcast %reduce_max3A_32 : f32 to vector<16xf32>
      %eq3A_33 = arith.cmpf oeq, %scan3A_28#0, %eq3A : vector<16xf32>
      %mul3A_34 = arith.constant 16 : i32
      %mul3A_35 = vector.broadcast %mul3A_34 : i32 to vector<16xi32>
      %mul3A_36 = arith.muli %scan3A_28#1, %mul3A_35 : vector<16xi32>
      %add3A_37 = arith.addi %mul3A_36, %iota3A : vector<16xi32>
      %broadcast_in_dim3A_38 = arith.constant 4096 : i32
      %broadcast_in_dim3A_39 = vector.broadcast %broadcast_in_dim3A_38 : i32 to vector<16xi32>
      %select_n3A = arith.select %eq3A_33, %add3A_37, %broadcast_in_dim3A_39 : vector<16xi1>, vector<16xi32>
      %reduce_min3A = arith.constant true
      %reduce_min3A_40 = vector.broadcast %reduce_min3A : i1 to vector<16xi1>
      %reduce_min3A_41 = arith.constant -2147483648 : i32
      %reduce_min3A_42 = vector.broadcast %reduce_min3A_41 : i32 to vector<16xi32>
      %reduce_min3A_43 = arith.xori %select_n3A, %reduce_min3A_42 : vector<16xi32>
      %reduce_min3A_44 = tpu.scan <min>, %reduce_min3A_43 masked %reduce_min3A_40 : vector<16xi32>, vector<16xi1> -> vector<16xi32>
      %reduce_min3A_45 = arith.xori %reduce_min3A_44, %reduce_min3A_42 : vector<16xi32>
      %reduce_min3A_46 = vector.extract %reduce_min3A_45[15] : i32 from vector<16xi32>
      %reduce_max3A_47 = arith.constant true
      %reduce_max3A_48 = vector.broadcast %reduce_max3A_47 : i1 to vector<16xi1>
      %reduce_max3A_49 = tpu.scan <max>, %scan3A_28#2 masked %reduce_max3A_48 : vector<16xf32>, vector<16xi1> -> vector<16xf32>
      %reduce_max3A_50 = vector.extract %reduce_max3A_49[15] : f32 from vector<16xf32>
      %broadcast_in_dim3A_51 = arith.constant 0.000000e+00 : f32
      %broadcast_in_dim3A_52 = vector.broadcast %broadcast_in_dim3A_51 : f32 to vector<16xf32>
      %scan3A_53 = arith.constant 0 : i32
      %scan3A_54 = arith.constant 32 : i32
      %scan3A_55 = arith.addi %scan3A_53, %scan3A_54 : i32
      %scan3A_56 = arith.constant 1 : i32
      %scan3A_57 = scf.for %scan3A_72 = %scan3A_53 to %scan3A_55 step %scan3A_56 iter_args(%scan3A_73 = %broadcast_in_dim3A_52) -> (vector<16xf32>)  : i32 {
        %mul3A_74 = arith.constant 8 : i32
        %mul3A_75 = arith.muli %scan3A_72, %mul3A_74 : i32
        %add3A_76 = arith.constant 0 : i32
        %add3A_77 = arith.addi %mul3A_75, %add3A_76 : i32
        %mul3A_78 = arith.constant 16 : i32
        %mul3A_79 = arith.muli %add3A_77, %mul3A_78 : i32
        %get3A = arith.index_cast %mul3A_79 : i32 to index
        %get3A_80 = tpu.vector_load %arg6[%get3A] {strides = array<i32>} : memref<4096xf32, #tpu.memory_space<vmem>>, vector<16xf32>,
        %sub3A_81 = vector.broadcast %reduce_max3A_50 : f32 to vector<16xf32>
        %sub3A_82 = arith.subf %get3A_80, %sub3A_81 : vector<16xf32>
        %exp3A_83 = math.exp %sub3A_82 : vector<16xf32>
        %add3A_84 = arith.addf %scan3A_73, %exp3A_83 : vector<16xf32>
        %mul3A_85 = arith.constant 8 : i32
        %mul3A_86 = arith.muli %scan3A_72, %mul3A_85 : i32
        %add3A_87 = arith.constant 1 : i32
        %add3A_88 = arith.addi %mul3A_86, %add3A_87 : i32
        %mul3A_89 = arith.constant 16 : i32
        %mul3A_90 = arith.muli %add3A_88, %mul3A_89 : i32
        %get3A_91 = arith.index_cast %mul3A_90 : i32 to index
        %get3A_92 = tpu.vector_load %arg6[%get3A_91] {strides = array<i32>} : memref<4096xf32, #tpu.memory_space<vmem>>, vector<16xf32>,
        %sub3A_93 = vector.broadcast %reduce_max3A_50 : f32 to vector<16xf32>
        %sub3A_94 = arith.subf %get3A_92, %sub3A_93 : vector<16xf32>
        %exp3A_95 = math.exp %sub3A_94 : vector<16xf32>
        %add3A_96 = arith.addf %add3A_84, %exp3A_95 : vector<16xf32>
        %mul3A_97 = arith.constant 8 : i32
        %mul3A_98 = arith.muli %scan3A_72, %mul3A_97 : i32
        %add3A_99 = arith.constant 2 : i32
        %add3A_100 = arith.addi %mul3A_98, %add3A_99 : i32
        %mul3A_101 = arith.constant 16 : i32
        %mul3A_102 = arith.muli %add3A_100, %mul3A_101 : i32
        %get3A_103 = arith.index_cast %mul3A_102 : i32 to index
        %get3A_104 = tpu.vector_load %arg6[%get3A_103] {strides = array<i32>} : memref<4096xf32, #tpu.memory_space<vmem>>, vector<16xf32>,
        %sub3A_105 = vector.broadcast %reduce_max3A_50 : f32 to vector<16xf32>
        %sub3A_106 = arith.subf %get3A_104, %sub3A_105 : vector<16xf32>
        %exp3A_107 = math.exp %sub3A_106 : vector<16xf32>
        %add3A_108 = arith.addf %add3A_96, %exp3A_107 : vector<16xf32>
        %mul3A_109 = arith.constant 8 : i32
        %mul3A_110 = arith.muli %scan3A_72, %mul3A_109 : i32
        %add3A_111 = arith.constant 3 : i32
        %add3A_112 = arith.addi %mul3A_110, %add3A_111 : i32
        %mul3A_113 = arith.constant 16 : i32
        %mul3A_114 = arith.muli %add3A_112, %mul3A_113 : i32
        %get3A_115 = arith.index_cast %mul3A_114 : i32 to index
        %get3A_116 = tpu.vector_load %arg6[%get3A_115] {strides = array<i32>} : memref<4096xf32, #tpu.memory_space<vmem>>, vector<16xf32>,
        %sub3A_117 = vector.broadcast %reduce_max3A_50 : f32 to vector<16xf32>
        %sub3A_118 = arith.subf %get3A_116, %sub3A_117 : vector<16xf32>
        %exp3A_119 = math.exp %sub3A_118 : vector<16xf32>
        %add3A_120 = arith.addf %add3A_108, %exp3A_119 : vector<16xf32>
        %mul3A_121 = arith.constant 8 : i32
        %mul3A_122 = arith.muli %scan3A_72, %mul3A_121 : i32
        %add3A_123 = arith.constant 4 : i32
        %add3A_124 = arith.addi %mul3A_122, %add3A_123 : i32
        %mul3A_125 = arith.constant 16 : i32
        %mul3A_126 = arith.muli %add3A_124, %mul3A_125 : i32
        %get3A_127 = arith.index_cast %mul3A_126 : i32 to index
        %get3A_128 = tpu.vector_load %arg6[%get3A_127] {strides = array<i32>} : memref<4096xf32, #tpu.memory_space<vmem>>, vector<16xf32>,
        %sub3A_129 = vector.broadcast %reduce_max3A_50 : f32 to vector<16xf32>
        %sub3A_130 = arith.subf %get3A_128, %sub3A_129 : vector<16xf32>
        %exp3A_131 = math.exp %sub3A_130 : vector<16xf32>
        %add3A_132 = arith.addf %add3A_120, %exp3A_131 : vector<16xf32>
        %mul3A_133 = arith.constant 8 : i32
        %mul3A_134 = arith.muli %scan3A_72, %mul3A_133 : i32
        %add3A_135 = arith.constant 5 : i32
        %add3A_136 = arith.addi %mul3A_134, %add3A_135 : i32
        %mul3A_137 = arith.constant 16 : i32
        %mul3A_138 = arith.muli %add3A_136, %mul3A_137 : i32
        %get3A_139 = arith.index_cast %mul3A_138 : i32 to index
        %get3A_140 = tpu.vector_load %arg6[%get3A_139] {strides = array<i32>} : memref<4096xf32, #tpu.memory_space<vmem>>, vector<16xf32>,
        %sub3A_141 = vector.broadcast %reduce_max3A_50 : f32 to vector<16xf32>
        %sub3A_142 = arith.subf %get3A_140, %sub3A_141 : vector<16xf32>
        %exp3A_143 = math.exp %sub3A_142 : vector<16xf32>
        %add3A_144 = arith.addf %add3A_132, %exp3A_143 : vector<16xf32>
        %mul3A_145 = arith.constant 8 : i32
        %mul3A_146 = arith.muli %scan3A_72, %mul3A_145 : i32
        %add3A_147 = arith.constant 6 : i32
        %add3A_148 = arith.addi %mul3A_146, %add3A_147 : i32
        %mul3A_149 = arith.constant 16 : i32
        %mul3A_150 = arith.muli %add3A_148, %mul3A_149 : i32
        %get3A_151 = arith.index_cast %mul3A_150 : i32 to index
        %get3A_152 = tpu.vector_load %arg6[%get3A_151] {strides = array<i32>} : memref<4096xf32, #tpu.memory_space<vmem>>, vector<16xf32>,
        %sub3A_153 = vector.broadcast %reduce_max3A_50 : f32 to vector<16xf32>
        %sub3A_154 = arith.subf %get3A_152, %sub3A_153 : vector<16xf32>
        %exp3A_155 = math.exp %sub3A_154 : vector<16xf32>
        %add3A_156 = arith.addf %add3A_144, %exp3A_155 : vector<16xf32>
        %mul3A_157 = arith.constant 8 : i32
        %mul3A_158 = arith.muli %scan3A_72, %mul3A_157 : i32
        %add3A_159 = arith.constant 7 : i32
        %add3A_160 = arith.addi %mul3A_158, %add3A_159 : i32
        %mul3A_161 = arith.constant 16 : i32
        %mul3A_162 = arith.muli %add3A_160, %mul3A_161 : i32
        %get3A_163 = arith.index_cast %mul3A_162 : i32 to index
        %get3A_164 = tpu.vector_load %arg6[%get3A_163] {strides = array<i32>} : memref<4096xf32, #tpu.memory_space<vmem>>, vector<16xf32>,
        %sub3A_165 = vector.broadcast %reduce_max3A_50 : f32 to vector<16xf32>
        %sub3A_166 = arith.subf %get3A_164, %sub3A_165 : vector<16xf32>
        %exp3A_167 = math.exp %sub3A_166 : vector<16xf32>
        %add3A_168 = arith.addf %add3A_156, %exp3A_167 : vector<16xf32>
        scf.yield %add3A_168 : vector<16xf32>
      }
      %scan3A_58 = arith.constant 32 : i32
      %reduce_sum3A = arith.constant true
      %reduce_sum3A_59 = vector.broadcast %reduce_sum3A : i1 to vector<16xi1>
      %reduce_sum3A_60 = tpu.scan <sum>, %scan3A_57 masked %reduce_sum3A_59 : vector<16xf32>, vector<16xi1> -> vector<16xf32>
      %reduce_sum3A_61 = vector.extract %reduce_sum3A_60[15] : f32 from vector<16xf32>
      %broadcast_in_dim3A_62 = vector.broadcast %reduce_min3A_46 : i32 to vector<16xi32>
      %gather3A = tpu.vector_load_idx %arg6[%broadcast_in_dim3A_62] : memref<4096xf32, #tpu.memory_space<vmem>>[vector<16xi32>], vector<16xf32>,
      %broadcast_in_dim3A_63 = vector.broadcast %reduce_max3A_50 : f32 to vector<16xf32>
      %sub3A = arith.subf %gather3A, %broadcast_in_dim3A_63 : vector<16xf32>
      %exp3A = math.exp %sub3A : vector<16xf32>
      %broadcast_in_dim3A_64 = vector.broadcast %reduce_sum3A_61 : f32 to vector<16xf32>
      %div3A = arith.divf %exp3A, %broadcast_in_dim3A_64 : vector<16xf32>
      %eq3A_65 = vector.broadcast %scan3A_14 : i32 to vector<16xi32>
      %eq3A_66 = arith.cmpi eq, %iota3A, %eq3A_65 : vector<16xi32>
      %broadcast_in_dim3A_67 = vector.broadcast %reduce_min3A_46 : i32 to vector<16xi32>
      %select_n3A_68 = arith.select %eq3A_66, %broadcast_in_dim3A_67, %scan3A_15 : vector<16xi1>, vector<16xi32>
      %eq3A_69 = vector.broadcast %scan3A_14 : i32 to vector<16xi32>
      %eq3A_70 = arith.cmpi eq, %iota3A, %eq3A_69 : vector<16xi32>
      %select_n3A_71 = arith.select %eq3A_70, %div3A, %scan3A_16 : vector<16xi1>, vector<16xf32>
      scf.yield %select_n3A_68, %select_n3A_71 : vector<16xi32>, vector<16xf32>
    }
    %scan3A_10 = arith.constant 16 : i32
    %swap3A = arith.constant 0 : index
    %swap3A_11 = tpu.vector_load %arg8[%swap3A] {strides = array<i32>} : memref<16xi32, #tpu.memory_space<vmem>>, vector<16xi32>,
    tpu.vector_store %arg8[%swap3A], %scan3A_9#0 {strides = array<i32>} : memref<16xi32, #tpu.memory_space<vmem>>, vector<16xi32>,
    %swap3A_12 = arith.constant 0 : index
    %swap3A_13 = tpu.vector_load %arg9[%swap3A_12] {strides = array<i32>} : memref<16xf32, #tpu.memory_space<vmem>>, vector<16xf32>,
    tpu.vector_store %arg9[%swap3A_12], %scan3A_9#1 {strides = array<i32>} : memref<16xf32, #tpu.memory_space<vmem>>, vector<16xf32>,
    "tpu.region"() ({
      %run_scoped3A = tpu.sem_alloc : memref<!tpu.dma_semaphore, #tpu.memory_space<semaphore_mem>>
      %dma_start3A = tpu.memref_slice %arg4[%mul3A_2] : memref<512xi32, #tpu.memory_space<hbm>> -> memref<16xi32, #tpu.memory_space<hbm>>
      %dma_start3A_14 = tpu.memref_slice %arg4[%mul3A_2] : memref<512xi32, #tpu.memory_space<hbm>> -> memref<16xi32, #tpu.memory_space<hbm>>
      tpu.enqueue_dma source(%arg8 : memref<16xi32, #tpu.memory_space<vmem>>) target(%dma_start3A_14 : memref<16xi32, #tpu.memory_space<hbm>>) target_semaphore(%run_scoped3A : memref<!tpu.dma_semaphore, #tpu.memory_space<semaphore_mem>>)
      %dma_wait3A = tpu.memref_slice %arg4[%mul3A_2] : memref<512xi32, #tpu.memory_space<hbm>> -> memref<16xi32, #tpu.memory_space<hbm>>
      %dma_wait3A_15 = tpu.memref_slice %arg4[%mul3A_2] : memref<512xi32, #tpu.memory_space<hbm>> -> memref<16xi32, #tpu.memory_space<hbm>>
      tpu.wait_dma2 semaphore(%run_scoped3A : memref<!tpu.dma_semaphore, #tpu.memory_space<semaphore_mem>>) src(%arg8 : memref<16xi32, #tpu.memory_space<vmem>>) dst(%dma_wait3A_15 : memref<16xi32, #tpu.memory_space<hbm>>)
      tpu.yield
    }) : () -> ()
    "tpu.region"() ({
      %run_scoped3A = tpu.sem_alloc : memref<!tpu.dma_semaphore, #tpu.memory_space<semaphore_mem>>
      %dma_start3A = tpu.memref_slice %arg5[%mul3A_2] : memref<512xf32, #tpu.memory_space<hbm>> -> memref<16xf32, #tpu.memory_space<hbm>>
      %dma_start3A_14 = tpu.memref_slice %arg5[%mul3A_2] : memref<512xf32, #tpu.memory_space<hbm>> -> memref<16xf32, #tpu.memory_space<hbm>>
      tpu.enqueue_dma source(%arg9 : memref<16xf32, #tpu.memory_space<vmem>>) target(%dma_start3A_14 : memref<16xf32, #tpu.memory_space<hbm>>) target_semaphore(%run_scoped3A : memref<!tpu.dma_semaphore, #tpu.memory_space<semaphore_mem>>)
      %dma_wait3A = tpu.memref_slice %arg5[%mul3A_2] : memref<512xf32, #tpu.memory_space<hbm>> -> memref<16xf32, #tpu.memory_space<hbm>>
      %dma_wait3A_15 = tpu.memref_slice %arg5[%mul3A_2] : memref<512xf32, #tpu.memory_space<hbm>> -> memref<16xf32, #tpu.memory_space<hbm>>
      tpu.wait_dma2 semaphore(%run_scoped3A : memref<!tpu.dma_semaphore, #tpu.memory_space<semaphore_mem>>) src(%arg9 : memref<16xf32, #tpu.memory_space<vmem>>) dst(%dma_wait3A_15 : memref<16xf32, #tpu.memory_space<hbm>>)
      tpu.yield
    }) : () -> ()
    return
  }
}

module attributes {stable_mosaic.version = 14 : i64} {
  func.func @_score_body(%arg0: i32, %arg1: memref<1x16x4096xf32, #tpu.memory_space<vmem>>, %arg2: memref<1x16x4096xf32, #tpu.memory_space<vmem>>, %arg3: memref<1x1x4096xf32, #tpu.memory_space<vmem>>, %arg4: memref<1x1x4096xf32, #tpu.memory_space<vmem>>, %arg5: memref<1x1x4096xf32, #tpu.memory_space<vmem>>, %arg6: memref<7x16xf32, #tpu.memory_space<vmem>>, %arg7: memref<1x16xf32, #tpu.memory_space<vmem>>, %arg8: memref<16x1xf32, #tpu.memory_space<vmem>>, %arg9: memref<1x1xf32, #tpu.memory_space<vmem>>, %arg10: memref<1x16x4096xf32, #tpu.memory_space<vmem>>) attributes {dimension_semantics = [#tpu.dimension_semantics<arbitrary>], iteration_bounds = array<i64: 32>, scalar_prefetch = 0 : i64, scratch_operands = 0 : i64, tpu.core_type = #tpu.core_type<tc>, window_params = [{transform_indices = @transform_0, window_bounds = array<i64: 1, 16, 4096>}, {transform_indices = @transform_1, window_bounds = array<i64: 1, 16, 4096>}, {transform_indices = @transform_2, window_bounds = array<i64: 1, 1, 4096>}, {transform_indices = @transform_3, window_bounds = array<i64: 1, 1, 4096>}, {transform_indices = @transform_4, window_bounds = array<i64: 1, 1, 4096>}, {pipeline_mode = #tpu.pipeline_mode<synchronous>, transform_indices = @transform_5, window_bounds = array<i64: 7, 16>}, {pipeline_mode = #tpu.pipeline_mode<synchronous>, transform_indices = @transform_6, window_bounds = array<i64: 1, 16>}, {pipeline_mode = #tpu.pipeline_mode<synchronous>, transform_indices = @transform_7, window_bounds = array<i64: 16, 1>}, {pipeline_mode = #tpu.pipeline_mode<synchronous>, transform_indices = @transform_8, window_bounds = array<i64: 1, 1>}, {transform_indices = @transform_9, window_bounds = array<i64: 1, 16, 4096>}]} {
    %get3A = arith.constant 0 : index
    %get3A_0 = arith.constant 0 : index
    %get3A_1 = arith.constant 0 : index
    %get3A_2 = vector.load %arg1[%get3A, %get3A_0, %get3A_1] : memref<1x16x4096xf32, #tpu.memory_space<vmem>>, vector<1x16x4096xf32>
    %get3A_3 = vector.shape_cast %get3A_2 : vector<1x16x4096xf32> to vector<16x4096xf32>
    %get3A_4 = arith.constant 0 : index
    %get3A_5 = arith.constant 0 : index
    %get3A_6 = arith.constant 0 : index
    %get3A_7 = vector.load %arg2[%get3A_4, %get3A_5, %get3A_6] : memref<1x16x4096xf32, #tpu.memory_space<vmem>>, vector<1x16x4096xf32>
    %get3A_8 = vector.shape_cast %get3A_7 : vector<1x16x4096xf32> to vector<16x4096xf32>
    %get3A_9 = arith.constant 0 : index
    %get3A_10 = arith.constant 0 : index
    %get3A_11 = arith.constant 0 : index
    %get3A_12 = vector.load %arg3[%get3A_9, %get3A_10, %get3A_11] : memref<1x1x4096xf32, #tpu.memory_space<vmem>>, vector<1x1x4096xf32>
    %get3A_13 = vector.shape_cast %get3A_12 : vector<1x1x4096xf32> to vector<1x4096xf32>
    %get3A_14 = arith.constant 0 : index
    %get3A_15 = arith.constant 0 : index
    %get3A_16 = arith.constant 0 : index
    %get3A_17 = vector.load %arg4[%get3A_14, %get3A_15, %get3A_16] : memref<1x1x4096xf32, #tpu.memory_space<vmem>>, vector<1x1x4096xf32>
    %get3A_18 = vector.shape_cast %get3A_17 : vector<1x1x4096xf32> to vector<1x4096xf32>
    %get3A_19 = arith.constant 0 : index
    %get3A_20 = arith.constant 0 : index
    %get3A_21 = arith.constant 0 : index
    %get3A_22 = vector.load %arg5[%get3A_19, %get3A_20, %get3A_21] : memref<1x1x4096xf32, #tpu.memory_space<vmem>>, vector<1x1x4096xf32>
    %get3A_23 = vector.shape_cast %get3A_22 : vector<1x1x4096xf32> to vector<1x4096xf32>
    %cos3A = math.cos %get3A_8 : vector<16x4096xf32>
    %sin3A = math.sin %get3A_8 : vector<16x4096xf32>
    %get3A_24 = arith.constant 0 : index
    %get3A_25 = arith.constant 0 : index
    %get3A_26 = vector.load %arg6[%get3A_24, %get3A_25] : memref<7x16xf32, #tpu.memory_space<vmem>>, vector<7x16xf32>
    %transpose3A = tpu.transpose %get3A_26, [1, 0] : vector<7x16xf32> -> vector<16x7xf32>
    %get3A_27 = arith.constant 0 : index
    %get3A_28 = arith.constant 0 : index
    %get3A_29 = vector.load %arg8[%get3A_27, %get3A_28] : memref<16x1xf32, #tpu.memory_space<vmem>>, vector<16x1xf32>
    %transpose3A_30 = tpu.transpose %get3A_29, [1, 0] : vector<16x1xf32> -> vector<1x16xf32>
    %get3A_31 = arith.constant 0 : index
    %get3A_32 = arith.constant 0 : index
    %get3A_33 = vector.load %arg7[%get3A_31, %get3A_32] : memref<1x16xf32, #tpu.memory_space<vmem>>, vector<1x16xf32>
    %transpose3A_34 = tpu.transpose %get3A_33, [1, 0] : vector<1x16xf32> -> vector<16x1xf32>
    %convert_element_type3A = arith.truncf %get3A_23 : vector<1x4096xf32> to vector<1x4096xbf16>
    %convert_element_type3A_35 = arith.truncf %get3A_13 : vector<1x4096xf32> to vector<1x4096xbf16>
    %convert_element_type3A_36 = arith.truncf %get3A_18 : vector<1x4096xf32> to vector<1x4096xbf16>
    %slice3A = vector.extract_strided_slice %get3A_3 {offsets = [0, 0], sizes = [1, 4096], strides = [1, 1]} : vector<16x4096xf32> to vector<1x4096xf32>
    %convert_element_type3A_37 = arith.truncf %slice3A : vector<1x4096xf32> to vector<1x4096xbf16>
    %slice3A_38 = vector.extract_strided_slice %get3A_8 {offsets = [0, 0], sizes = [1, 4096], strides = [1, 1]} : vector<16x4096xf32> to vector<1x4096xf32>
    %convert_element_type3A_39 = arith.truncf %slice3A_38 : vector<1x4096xf32> to vector<1x4096xbf16>
    %slice3A_40 = vector.extract_strided_slice %cos3A {offsets = [0, 0], sizes = [1, 4096], strides = [1, 1]} : vector<16x4096xf32> to vector<1x4096xf32>
    %convert_element_type3A_41 = arith.truncf %slice3A_40 : vector<1x4096xf32> to vector<1x4096xbf16>
    %slice3A_42 = vector.extract_strided_slice %sin3A {offsets = [0, 0], sizes = [1, 4096], strides = [1, 1]} : vector<16x4096xf32> to vector<1x4096xf32>
    %convert_element_type3A_43 = arith.truncf %slice3A_42 : vector<1x4096xf32> to vector<1x4096xbf16>
    %concatenate3A = tpu.concatenate %convert_element_type3A_37, %convert_element_type3A_39, %convert_element_type3A_41, %convert_element_type3A_43, %convert_element_type3A, %convert_element_type3A_35, %convert_element_type3A_36 in 0 : vector<1x4096xbf16>, vector<1x4096xbf16>, vector<1x4096xbf16>, vector<1x4096xbf16>, vector<1x4096xbf16>, vector<1x4096xbf16>, vector<1x4096xbf16> -> vector<7x4096xbf16>
    %dot_general3A = arith.constant dense<0.000000e+00> : vector<16x4096xf32>
    %dot_general3A_44 = tpu.matmul %transpose3A, %concatenate3A, %dot_general3A {dimension_numbers = #tpu.dot_dimension_numbers<[1], [0], [0], [1], [0, 0, 1, 1], [], []>, transpose_lhs_hint = false} : vector<16x7xf32>, vector<7x4096xbf16>, vector<16x4096xf32> -> vector<16x4096xf32>
    %add3A = vector.broadcast %transpose3A_34 : vector<16x1xf32> to vector<16x4096xf32>
    %add3A_45 = arith.addf %dot_general3A_44, %add3A : vector<16x4096xf32>
    %tanh3A = math.tanh %add3A_45 : vector<16x4096xf32>
    %convert_element_type3A_46 = arith.truncf %tanh3A : vector<16x4096xf32> to vector<16x4096xbf16>
    %dot_general3A_47 = arith.constant dense<0.000000e+00> : vector<1x4096xf32>
    %dot_general3A_48 = tpu.matmul %transpose3A_30, %convert_element_type3A_46, %dot_general3A_47 {dimension_numbers = #tpu.dot_dimension_numbers<[1], [0], [0], [1], [0, 0, 1, 1], [], []>, transpose_lhs_hint = false} : vector<1x16xf32>, vector<16x4096xbf16>, vector<1x4096xf32> -> vector<1x4096xf32>
    %slice3A_49 = vector.extract_strided_slice %get3A_3 {offsets = [1, 0], sizes = [1, 4096], strides = [1, 1]} : vector<16x4096xf32> to vector<1x4096xf32>
    %convert_element_type3A_50 = arith.truncf %slice3A_49 : vector<1x4096xf32> to vector<1x4096xbf16>
    %slice3A_51 = vector.extract_strided_slice %get3A_8 {offsets = [1, 0], sizes = [1, 4096], strides = [1, 1]} : vector<16x4096xf32> to vector<1x4096xf32>
    %convert_element_type3A_52 = arith.truncf %slice3A_51 : vector<1x4096xf32> to vector<1x4096xbf16>
    %slice3A_53 = vector.extract_strided_slice %cos3A {offsets = [1, 0], sizes = [1, 4096], strides = [1, 1]} : vector<16x4096xf32> to vector<1x4096xf32>
    %convert_element_type3A_54 = arith.truncf %slice3A_53 : vector<1x4096xf32> to vector<1x4096xbf16>
    %slice3A_55 = vector.extract_strided_slice %sin3A {offsets = [1, 0], sizes = [1, 4096], strides = [1, 1]} : vector<16x4096xf32> to vector<1x4096xf32>
    %convert_element_type3A_56 = arith.truncf %slice3A_55 : vector<1x4096xf32> to vector<1x4096xbf16>
    %concatenate3A_57 = tpu.concatenate %convert_element_type3A_50, %convert_element_type3A_52, %convert_element_type3A_54, %convert_element_type3A_56, %convert_element_type3A, %convert_element_type3A_35, %convert_element_type3A_36 in 0 : vector<1x4096xbf16>, vector<1x4096xbf16>, vector<1x4096xbf16>, vector<1x4096xbf16>, vector<1x4096xbf16>, vector<1x4096xbf16>, vector<1x4096xbf16> -> vector<7x4096xbf16>
    %dot_general3A_58 = arith.constant dense<0.000000e+00> : vector<16x4096xf32>
    %dot_general3A_59 = tpu.matmul %transpose3A, %concatenate3A_57, %dot_general3A_58 {dimension_numbers = #tpu.dot_dimension_numbers<[1], [0], [0], [1], [0, 0, 1, 1], [], []>, transpose_lhs_hint = false} : vector<16x7xf32>, vector<7x4096xbf16>, vector<16x4096xf32> -> vector<16x4096xf32>
    %add3A_60 = vector.broadcast %transpose3A_34 : vector<16x1xf32> to vector<16x4096xf32>
    %add3A_61 = arith.addf %dot_general3A_59, %add3A_60 : vector<16x4096xf32>
    %tanh3A_62 = math.tanh %add3A_61 : vector<16x4096xf32>
    %convert_element_type3A_63 = arith.truncf %tanh3A_62 : vector<16x4096xf32> to vector<16x4096xbf16>
    %dot_general3A_64 = arith.constant dense<0.000000e+00> : vector<1x4096xf32>
    %dot_general3A_65 = tpu.matmul %transpose3A_30, %convert_element_type3A_63, %dot_general3A_64 {dimension_numbers = #tpu.dot_dimension_numbers<[1], [0], [0], [1], [0, 0, 1, 1], [], []>, transpose_lhs_hint = false} : vector<1x16xf32>, vector<16x4096xbf16>, vector<1x4096xf32> -> vector<1x4096xf32>
    %slice3A_66 = vector.extract_strided_slice %get3A_3 {offsets = [2, 0], sizes = [1, 4096], strides = [1, 1]} : vector<16x4096xf32> to vector<1x4096xf32>
    %convert_element_type3A_67 = arith.truncf %slice3A_66 : vector<1x4096xf32> to vector<1x4096xbf16>
    %slice3A_68 = vector.extract_strided_slice %get3A_8 {offsets = [2, 0], sizes = [1, 4096], strides = [1, 1]} : vector<16x4096xf32> to vector<1x4096xf32>
    %convert_element_type3A_69 = arith.truncf %slice3A_68 : vector<1x4096xf32> to vector<1x4096xbf16>
    %slice3A_70 = vector.extract_strided_slice %cos3A {offsets = [2, 0], sizes = [1, 4096], strides = [1, 1]} : vector<16x4096xf32> to vector<1x4096xf32>
    %convert_element_type3A_71 = arith.truncf %slice3A_70 : vector<1x4096xf32> to vector<1x4096xbf16>
    %slice3A_72 = vector.extract_strided_slice %sin3A {offsets = [2, 0], sizes = [1, 4096], strides = [1, 1]} : vector<16x4096xf32> to vector<1x4096xf32>
    %convert_element_type3A_73 = arith.truncf %slice3A_72 : vector<1x4096xf32> to vector<1x4096xbf16>
    %concatenate3A_74 = tpu.concatenate %convert_element_type3A_67, %convert_element_type3A_69, %convert_element_type3A_71, %convert_element_type3A_73, %convert_element_type3A, %convert_element_type3A_35, %convert_element_type3A_36 in 0 : vector<1x4096xbf16>, vector<1x4096xbf16>, vector<1x4096xbf16>, vector<1x4096xbf16>, vector<1x4096xbf16>, vector<1x4096xbf16>, vector<1x4096xbf16> -> vector<7x4096xbf16>
    %dot_general3A_75 = arith.constant dense<0.000000e+00> : vector<16x4096xf32>
    %dot_general3A_76 = tpu.matmul %transpose3A, %concatenate3A_74, %dot_general3A_75 {dimension_numbers = #tpu.dot_dimension_numbers<[1], [0], [0], [1], [0, 0, 1, 1], [], []>, transpose_lhs_hint = false} : vector<16x7xf32>, vector<7x4096xbf16>, vector<16x4096xf32> -> vector<16x4096xf32>
    %add3A_77 = vector.broadcast %transpose3A_34 : vector<16x1xf32> to vector<16x4096xf32>
    %add3A_78 = arith.addf %dot_general3A_76, %add3A_77 : vector<16x4096xf32>
    %tanh3A_79 = math.tanh %add3A_78 : vector<16x4096xf32>
    %convert_element_type3A_80 = arith.truncf %tanh3A_79 : vector<16x4096xf32> to vector<16x4096xbf16>
    %dot_general3A_81 = arith.constant dense<0.000000e+00> : vector<1x4096xf32>
    %dot_general3A_82 = tpu.matmul %transpose3A_30, %convert_element_type3A_80, %dot_general3A_81 {dimension_numbers = #tpu.dot_dimension_numbers<[1], [0], [0], [1], [0, 0, 1, 1], [], []>, transpose_lhs_hint = false} : vector<1x16xf32>, vector<16x4096xbf16>, vector<1x4096xf32> -> vector<1x4096xf32>
    %slice3A_83 = vector.extract_strided_slice %get3A_3 {offsets = [3, 0], sizes = [1, 4096], strides = [1, 1]} : vector<16x4096xf32> to vector<1x4096xf32>
    %convert_element_type3A_84 = arith.truncf %slice3A_83 : vector<1x4096xf32> to vector<1x4096xbf16>
    %slice3A_85 = vector.extract_strided_slice %get3A_8 {offsets = [3, 0], sizes = [1, 4096], strides = [1, 1]} : vector<16x4096xf32> to vector<1x4096xf32>
    %convert_element_type3A_86 = arith.truncf %slice3A_85 : vector<1x4096xf32> to vector<1x4096xbf16>
    %slice3A_87 = vector.extract_strided_slice %cos3A {offsets = [3, 0], sizes = [1, 4096], strides = [1, 1]} : vector<16x4096xf32> to vector<1x4096xf32>
    %convert_element_type3A_88 = arith.truncf %slice3A_87 : vector<1x4096xf32> to vector<1x4096xbf16>
    %slice3A_89 = vector.extract_strided_slice %sin3A {offsets = [3, 0], sizes = [1, 4096], strides = [1, 1]} : vector<16x4096xf32> to vector<1x4096xf32>
    %convert_element_type3A_90 = arith.truncf %slice3A_89 : vector<1x4096xf32> to vector<1x4096xbf16>
    %concatenate3A_91 = tpu.concatenate %convert_element_type3A_84, %convert_element_type3A_86, %convert_element_type3A_88, %convert_element_type3A_90, %convert_element_type3A, %convert_element_type3A_35, %convert_element_type3A_36 in 0 : vector<1x4096xbf16>, vector<1x4096xbf16>, vector<1x4096xbf16>, vector<1x4096xbf16>, vector<1x4096xbf16>, vector<1x4096xbf16>, vector<1x4096xbf16> -> vector<7x4096xbf16>
    %dot_general3A_92 = arith.constant dense<0.000000e+00> : vector<16x4096xf32>
    %dot_general3A_93 = tpu.matmul %transpose3A, %concatenate3A_91, %dot_general3A_92 {dimension_numbers = #tpu.dot_dimension_numbers<[1], [0], [0], [1], [0, 0, 1, 1], [], []>, transpose_lhs_hint = false} : vector<16x7xf32>, vector<7x4096xbf16>, vector<16x4096xf32> -> vector<16x4096xf32>
    %add3A_94 = vector.broadcast %transpose3A_34 : vector<16x1xf32> to vector<16x4096xf32>
    %add3A_95 = arith.addf %dot_general3A_93, %add3A_94 : vector<16x4096xf32>
    %tanh3A_96 = math.tanh %add3A_95 : vector<16x4096xf32>
    %convert_element_type3A_97 = arith.truncf %tanh3A_96 : vector<16x4096xf32> to vector<16x4096xbf16>
    %dot_general3A_98 = arith.constant dense<0.000000e+00> : vector<1x4096xf32>
    %dot_general3A_99 = tpu.matmul %transpose3A_30, %convert_element_type3A_97, %dot_general3A_98 {dimension_numbers = #tpu.dot_dimension_numbers<[1], [0], [0], [1], [0, 0, 1, 1], [], []>, transpose_lhs_hint = false} : vector<1x16xf32>, vector<16x4096xbf16>, vector<1x4096xf32> -> vector<1x4096xf32>
    %slice3A_100 = vector.extract_strided_slice %get3A_3 {offsets = [4, 0], sizes = [1, 4096], strides = [1, 1]} : vector<16x4096xf32> to vector<1x4096xf32>
    %convert_element_type3A_101 = arith.truncf %slice3A_100 : vector<1x4096xf32> to vector<1x4096xbf16>
    %slice3A_102 = vector.extract_strided_slice %get3A_8 {offsets = [4, 0], sizes = [1, 4096], strides = [1, 1]} : vector<16x4096xf32> to vector<1x4096xf32>
    %convert_element_type3A_103 = arith.truncf %slice3A_102 : vector<1x4096xf32> to vector<1x4096xbf16>
    %slice3A_104 = vector.extract_strided_slice %cos3A {offsets = [4, 0], sizes = [1, 4096], strides = [1, 1]} : vector<16x4096xf32> to vector<1x4096xf32>
    %convert_element_type3A_105 = arith.truncf %slice3A_104 : vector<1x4096xf32> to vector<1x4096xbf16>
    %slice3A_106 = vector.extract_strided_slice %sin3A {offsets = [4, 0], sizes = [1, 4096], strides = [1, 1]} : vector<16x4096xf32> to vector<1x4096xf32>
    %convert_element_type3A_107 = arith.truncf %slice3A_106 : vector<1x4096xf32> to vector<1x4096xbf16>
    %concatenate3A_108 = tpu.concatenate %convert_element_type3A_101, %convert_element_type3A_103, %convert_element_type3A_105, %convert_element_type3A_107, %convert_element_type3A, %convert_element_type3A_35, %convert_element_type3A_36 in 0 : vector<1x4096xbf16>, vector<1x4096xbf16>, vector<1x4096xbf16>, vector<1x4096xbf16>, vector<1x4096xbf16>, vector<1x4096xbf16>, vector<1x4096xbf16> -> vector<7x4096xbf16>
    %dot_general3A_109 = arith.constant dense<0.000000e+00> : vector<16x4096xf32>
    %dot_general3A_110 = tpu.matmul %transpose3A, %concatenate3A_108, %dot_general3A_109 {dimension_numbers = #tpu.dot_dimension_numbers<[1], [0], [0], [1], [0, 0, 1, 1], [], []>, transpose_lhs_hint = false} : vector<16x7xf32>, vector<7x4096xbf16>, vector<16x4096xf32> -> vector<16x4096xf32>
    %add3A_111 = vector.broadcast %transpose3A_34 : vector<16x1xf32> to vector<16x4096xf32>
    %add3A_112 = arith.addf %dot_general3A_110, %add3A_111 : vector<16x4096xf32>
    %tanh3A_113 = math.tanh %add3A_112 : vector<16x4096xf32>
    %convert_element_type3A_114 = arith.truncf %tanh3A_113 : vector<16x4096xf32> to vector<16x4096xbf16>
    %dot_general3A_115 = arith.constant dense<0.000000e+00> : vector<1x4096xf32>
    %dot_general3A_116 = tpu.matmul %transpose3A_30, %convert_element_type3A_114, %dot_general3A_115 {dimension_numbers = #tpu.dot_dimension_numbers<[1], [0], [0], [1], [0, 0, 1, 1], [], []>, transpose_lhs_hint = false} : vector<1x16xf32>, vector<16x4096xbf16>, vector<1x4096xf32> -> vector<1x4096xf32>
    %slice3A_117 = vector.extract_strided_slice %get3A_3 {offsets = [5, 0], sizes = [1, 4096], strides = [1, 1]} : vector<16x4096xf32> to vector<1x4096xf32>
    %convert_element_type3A_118 = arith.truncf %slice3A_117 : vector<1x4096xf32> to vector<1x4096xbf16>
    %slice3A_119 = vector.extract_strided_slice %get3A_8 {offsets = [5, 0], sizes = [1, 4096], strides = [1, 1]} : vector<16x4096xf32> to vector<1x4096xf32>
    %convert_element_type3A_120 = arith.truncf %slice3A_119 : vector<1x4096xf32> to vector<1x4096xbf16>
    %slice3A_121 = vector.extract_strided_slice %cos3A {offsets = [5, 0], sizes = [1, 4096], strides = [1, 1]} : vector<16x4096xf32> to vector<1x4096xf32>
    %convert_element_type3A_122 = arith.truncf %slice3A_121 : vector<1x4096xf32> to vector<1x4096xbf16>
    %slice3A_123 = vector.extract_strided_slice %sin3A {offsets = [5, 0], sizes = [1, 4096], strides = [1, 1]} : vector<16x4096xf32> to vector<1x4096xf32>
    %convert_element_type3A_124 = arith.truncf %slice3A_123 : vector<1x4096xf32> to vector<1x4096xbf16>
    %concatenate3A_125 = tpu.concatenate %convert_element_type3A_118, %convert_element_type3A_120, %convert_element_type3A_122, %convert_element_type3A_124, %convert_element_type3A, %convert_element_type3A_35, %convert_element_type3A_36 in 0 : vector<1x4096xbf16>, vector<1x4096xbf16>, vector<1x4096xbf16>, vector<1x4096xbf16>, vector<1x4096xbf16>, vector<1x4096xbf16>, vector<1x4096xbf16> -> vector<7x4096xbf16>
    %dot_general3A_126 = arith.constant dense<0.000000e+00> : vector<16x4096xf32>
    %dot_general3A_127 = tpu.matmul %transpose3A, %concatenate3A_125, %dot_general3A_126 {dimension_numbers = #tpu.dot_dimension_numbers<[1], [0], [0], [1], [0, 0, 1, 1], [], []>, transpose_lhs_hint = false} : vector<16x7xf32>, vector<7x4096xbf16>, vector<16x4096xf32> -> vector<16x4096xf32>
    %add3A_128 = vector.broadcast %transpose3A_34 : vector<16x1xf32> to vector<16x4096xf32>
    %add3A_129 = arith.addf %dot_general3A_127, %add3A_128 : vector<16x4096xf32>
    %tanh3A_130 = math.tanh %add3A_129 : vector<16x4096xf32>
    %convert_element_type3A_131 = arith.truncf %tanh3A_130 : vector<16x4096xf32> to vector<16x4096xbf16>
    %dot_general3A_132 = arith.constant dense<0.000000e+00> : vector<1x4096xf32>
    %dot_general3A_133 = tpu.matmul %transpose3A_30, %convert_element_type3A_131, %dot_general3A_132 {dimension_numbers = #tpu.dot_dimension_numbers<[1], [0], [0], [1], [0, 0, 1, 1], [], []>, transpose_lhs_hint = false} : vector<1x16xf32>, vector<16x4096xbf16>, vector<1x4096xf32> -> vector<1x4096xf32>
    %slice3A_134 = vector.extract_strided_slice %get3A_3 {offsets = [6, 0], sizes = [1, 4096], strides = [1, 1]} : vector<16x4096xf32> to vector<1x4096xf32>
    %convert_element_type3A_135 = arith.truncf %slice3A_134 : vector<1x4096xf32> to vector<1x4096xbf16>
    %slice3A_136 = vector.extract_strided_slice %get3A_8 {offsets = [6, 0], sizes = [1, 4096], strides = [1, 1]} : vector<16x4096xf32> to vector<1x4096xf32>
    %convert_element_type3A_137 = arith.truncf %slice3A_136 : vector<1x4096xf32> to vector<1x4096xbf16>
    %slice3A_138 = vector.extract_strided_slice %cos3A {offsets = [6, 0], sizes = [1, 4096], strides = [1, 1]} : vector<16x4096xf32> to vector<1x4096xf32>
    %convert_element_type3A_139 = arith.truncf %slice3A_138 : vector<1x4096xf32> to vector<1x4096xbf16>
    %slice3A_140 = vector.extract_strided_slice %sin3A {offsets = [6, 0], sizes = [1, 4096], strides = [1, 1]} : vector<16x4096xf32> to vector<1x4096xf32>
    %convert_element_type3A_141 = arith.truncf %slice3A_140 : vector<1x4096xf32> to vector<1x4096xbf16>
    %concatenate3A_142 = tpu.concatenate %convert_element_type3A_135, %convert_element_type3A_137, %convert_element_type3A_139, %convert_element_type3A_141, %convert_element_type3A, %convert_element_type3A_35, %convert_element_type3A_36 in 0 : vector<1x4096xbf16>, vector<1x4096xbf16>, vector<1x4096xbf16>, vector<1x4096xbf16>, vector<1x4096xbf16>, vector<1x4096xbf16>, vector<1x4096xbf16> -> vector<7x4096xbf16>
    %dot_general3A_143 = arith.constant dense<0.000000e+00> : vector<16x4096xf32>
    %dot_general3A_144 = tpu.matmul %transpose3A, %concatenate3A_142, %dot_general3A_143 {dimension_numbers = #tpu.dot_dimension_numbers<[1], [0], [0], [1], [0, 0, 1, 1], [], []>, transpose_lhs_hint = false} : vector<16x7xf32>, vector<7x4096xbf16>, vector<16x4096xf32> -> vector<16x4096xf32>
    %add3A_145 = vector.broadcast %transpose3A_34 : vector<16x1xf32> to vector<16x4096xf32>
    %add3A_146 = arith.addf %dot_general3A_144, %add3A_145 : vector<16x4096xf32>
    %tanh3A_147 = math.tanh %add3A_146 : vector<16x4096xf32>
    %convert_element_type3A_148 = arith.truncf %tanh3A_147 : vector<16x4096xf32> to vector<16x4096xbf16>
    %dot_general3A_149 = arith.constant dense<0.000000e+00> : vector<1x4096xf32>
    %dot_general3A_150 = tpu.matmul %transpose3A_30, %convert_element_type3A_148, %dot_general3A_149 {dimension_numbers = #tpu.dot_dimension_numbers<[1], [0], [0], [1], [0, 0, 1, 1], [], []>, transpose_lhs_hint = false} : vector<1x16xf32>, vector<16x4096xbf16>, vector<1x4096xf32> -> vector<1x4096xf32>
    %slice3A_151 = vector.extract_strided_slice %get3A_3 {offsets = [7, 0], sizes = [1, 4096], strides = [1, 1]} : vector<16x4096xf32> to vector<1x4096xf32>
    %convert_element_type3A_152 = arith.truncf %slice3A_151 : vector<1x4096xf32> to vector<1x4096xbf16>
    %slice3A_153 = vector.extract_strided_slice %get3A_8 {offsets = [7, 0], sizes = [1, 4096], strides = [1, 1]} : vector<16x4096xf32> to vector<1x4096xf32>
    %convert_element_type3A_154 = arith.truncf %slice3A_153 : vector<1x4096xf32> to vector<1x4096xbf16>
    %slice3A_155 = vector.extract_strided_slice %cos3A {offsets = [7, 0], sizes = [1, 4096], strides = [1, 1]} : vector<16x4096xf32> to vector<1x4096xf32>
    %convert_element_type3A_156 = arith.truncf %slice3A_155 : vector<1x4096xf32> to vector<1x4096xbf16>
    %slice3A_157 = vector.extract_strided_slice %sin3A {offsets = [7, 0], sizes = [1, 4096], strides = [1, 1]} : vector<16x4096xf32> to vector<1x4096xf32>
    %convert_element_type3A_158 = arith.truncf %slice3A_157 : vector<1x4096xf32> to vector<1x4096xbf16>
    %concatenate3A_159 = tpu.concatenate %convert_element_type3A_152, %convert_element_type3A_154, %convert_element_type3A_156, %convert_element_type3A_158, %convert_element_type3A, %convert_element_type3A_35, %convert_element_type3A_36 in 0 : vector<1x4096xbf16>, vector<1x4096xbf16>, vector<1x4096xbf16>, vector<1x4096xbf16>, vector<1x4096xbf16>, vector<1x4096xbf16>, vector<1x4096xbf16> -> vector<7x4096xbf16>
    %dot_general3A_160 = arith.constant dense<0.000000e+00> : vector<16x4096xf32>
    %dot_general3A_161 = tpu.matmul %transpose3A, %concatenate3A_159, %dot_general3A_160 {dimension_numbers = #tpu.dot_dimension_numbers<[1], [0], [0], [1], [0, 0, 1, 1], [], []>, transpose_lhs_hint = false} : vector<16x7xf32>, vector<7x4096xbf16>, vector<16x4096xf32> -> vector<16x4096xf32>
    %add3A_162 = vector.broadcast %transpose3A_34 : vector<16x1xf32> to vector<16x4096xf32>
    %add3A_163 = arith.addf %dot_general3A_161, %add3A_162 : vector<16x4096xf32>
    %tanh3A_164 = math.tanh %add3A_163 : vector<16x4096xf32>
    %convert_element_type3A_165 = arith.truncf %tanh3A_164 : vector<16x4096xf32> to vector<16x4096xbf16>
    %dot_general3A_166 = arith.constant dense<0.000000e+00> : vector<1x4096xf32>
    %dot_general3A_167 = tpu.matmul %transpose3A_30, %convert_element_type3A_165, %dot_general3A_166 {dimension_numbers = #tpu.dot_dimension_numbers<[1], [0], [0], [1], [0, 0, 1, 1], [], []>, transpose_lhs_hint = false} : vector<1x16xf32>, vector<16x4096xbf16>, vector<1x4096xf32> -> vector<1x4096xf32>
    %slice3A_168 = vector.extract_strided_slice %get3A_3 {offsets = [8, 0], sizes = [1, 4096], strides = [1, 1]} : vector<16x4096xf32> to vector<1x4096xf32>
    %convert_element_type3A_169 = arith.truncf %slice3A_168 : vector<1x4096xf32> to vector<1x4096xbf16>
    %slice3A_170 = vector.extract_strided_slice %get3A_8 {offsets = [8, 0], sizes = [1, 4096], strides = [1, 1]} : vector<16x4096xf32> to vector<1x4096xf32>
    %convert_element_type3A_171 = arith.truncf %slice3A_170 : vector<1x4096xf32> to vector<1x4096xbf16>
    %slice3A_172 = vector.extract_strided_slice %cos3A {offsets = [8, 0], sizes = [1, 4096], strides = [1, 1]} : vector<16x4096xf32> to vector<1x4096xf32>
    %convert_element_type3A_173 = arith.truncf %slice3A_172 : vector<1x4096xf32> to vector<1x4096xbf16>
    %slice3A_174 = vector.extract_strided_slice %sin3A {offsets = [8, 0], sizes = [1, 4096], strides = [1, 1]} : vector<16x4096xf32> to vector<1x4096xf32>
    %convert_element_type3A_175 = arith.truncf %slice3A_174 : vector<1x4096xf32> to vector<1x4096xbf16>
    %concatenate3A_176 = tpu.concatenate %convert_element_type3A_169, %convert_element_type3A_171, %convert_element_type3A_173, %convert_element_type3A_175, %convert_element_type3A, %convert_element_type3A_35, %convert_element_type3A_36 in 0 : vector<1x4096xbf16>, vector<1x4096xbf16>, vector<1x4096xbf16>, vector<1x4096xbf16>, vector<1x4096xbf16>, vector<1x4096xbf16>, vector<1x4096xbf16> -> vector<7x4096xbf16>
    %dot_general3A_177 = arith.constant dense<0.000000e+00> : vector<16x4096xf32>
    %dot_general3A_178 = tpu.matmul %transpose3A, %concatenate3A_176, %dot_general3A_177 {dimension_numbers = #tpu.dot_dimension_numbers<[1], [0], [0], [1], [0, 0, 1, 1], [], []>, transpose_lhs_hint = false} : vector<16x7xf32>, vector<7x4096xbf16>, vector<16x4096xf32> -> vector<16x4096xf32>
    %add3A_179 = vector.broadcast %transpose3A_34 : vector<16x1xf32> to vector<16x4096xf32>
    %add3A_180 = arith.addf %dot_general3A_178, %add3A_179 : vector<16x4096xf32>
    %tanh3A_181 = math.tanh %add3A_180 : vector<16x4096xf32>
    %convert_element_type3A_182 = arith.truncf %tanh3A_181 : vector<16x4096xf32> to vector<16x4096xbf16>
    %dot_general3A_183 = arith.constant dense<0.000000e+00> : vector<1x4096xf32>
    %dot_general3A_184 = tpu.matmul %transpose3A_30, %convert_element_type3A_182, %dot_general3A_183 {dimension_numbers = #tpu.dot_dimension_numbers<[1], [0], [0], [1], [0, 0, 1, 1], [], []>, transpose_lhs_hint = false} : vector<1x16xf32>, vector<16x4096xbf16>, vector<1x4096xf32> -> vector<1x4096xf32>
    %slice3A_185 = vector.extract_strided_slice %get3A_3 {offsets = [9, 0], sizes = [1, 4096], strides = [1, 1]} : vector<16x4096xf32> to vector<1x4096xf32>
    %convert_element_type3A_186 = arith.truncf %slice3A_185 : vector<1x4096xf32> to vector<1x4096xbf16>
    %slice3A_187 = vector.extract_strided_slice %get3A_8 {offsets = [9, 0], sizes = [1, 4096], strides = [1, 1]} : vector<16x4096xf32> to vector<1x4096xf32>
    %convert_element_type3A_188 = arith.truncf %slice3A_187 : vector<1x4096xf32> to vector<1x4096xbf16>
    %slice3A_189 = vector.extract_strided_slice %cos3A {offsets = [9, 0], sizes = [1, 4096], strides = [1, 1]} : vector<16x4096xf32> to vector<1x4096xf32>
    %convert_element_type3A_190 = arith.truncf %slice3A_189 : vector<1x4096xf32> to vector<1x4096xbf16>
    %slice3A_191 = vector.extract_strided_slice %sin3A {offsets = [9, 0], sizes = [1, 4096], strides = [1, 1]} : vector<16x4096xf32> to vector<1x4096xf32>
    %convert_element_type3A_192 = arith.truncf %slice3A_191 : vector<1x4096xf32> to vector<1x4096xbf16>
    %concatenate3A_193 = tpu.concatenate %convert_element_type3A_186, %convert_element_type3A_188, %convert_element_type3A_190, %convert_element_type3A_192, %convert_element_type3A, %convert_element_type3A_35, %convert_element_type3A_36 in 0 : vector<1x4096xbf16>, vector<1x4096xbf16>, vector<1x4096xbf16>, vector<1x4096xbf16>, vector<1x4096xbf16>, vector<1x4096xbf16>, vector<1x4096xbf16> -> vector<7x4096xbf16>
    %dot_general3A_194 = arith.constant dense<0.000000e+00> : vector<16x4096xf32>
    %dot_general3A_195 = tpu.matmul %transpose3A, %concatenate3A_193, %dot_general3A_194 {dimension_numbers = #tpu.dot_dimension_numbers<[1], [0], [0], [1], [0, 0, 1, 1], [], []>, transpose_lhs_hint = false} : vector<16x7xf32>, vector<7x4096xbf16>, vector<16x4096xf32> -> vector<16x4096xf32>
    %add3A_196 = vector.broadcast %transpose3A_34 : vector<16x1xf32> to vector<16x4096xf32>
    %add3A_197 = arith.addf %dot_general3A_195, %add3A_196 : vector<16x4096xf32>
    %tanh3A_198 = math.tanh %add3A_197 : vector<16x4096xf32>
    %convert_element_type3A_199 = arith.truncf %tanh3A_198 : vector<16x4096xf32> to vector<16x4096xbf16>
    %dot_general3A_200 = arith.constant dense<0.000000e+00> : vector<1x4096xf32>
    %dot_general3A_201 = tpu.matmul %transpose3A_30, %convert_element_type3A_199, %dot_general3A_200 {dimension_numbers = #tpu.dot_dimension_numbers<[1], [0], [0], [1], [0, 0, 1, 1], [], []>, transpose_lhs_hint = false} : vector<1x16xf32>, vector<16x4096xbf16>, vector<1x4096xf32> -> vector<1x4096xf32>
    %slice3A_202 = vector.extract_strided_slice %get3A_3 {offsets = [10, 0], sizes = [1, 4096], strides = [1, 1]} : vector<16x4096xf32> to vector<1x4096xf32>
    %convert_element_type3A_203 = arith.truncf %slice3A_202 : vector<1x4096xf32> to vector<1x4096xbf16>
    %slice3A_204 = vector.extract_strided_slice %get3A_8 {offsets = [10, 0], sizes = [1, 4096], strides = [1, 1]} : vector<16x4096xf32> to vector<1x4096xf32>
    %convert_element_type3A_205 = arith.truncf %slice3A_204 : vector<1x4096xf32> to vector<1x4096xbf16>
    %slice3A_206 = vector.extract_strided_slice %cos3A {offsets = [10, 0], sizes = [1, 4096], strides = [1, 1]} : vector<16x4096xf32> to vector<1x4096xf32>
    %convert_element_type3A_207 = arith.truncf %slice3A_206 : vector<1x4096xf32> to vector<1x4096xbf16>
    %slice3A_208 = vector.extract_strided_slice %sin3A {offsets = [10, 0], sizes = [1, 4096], strides = [1, 1]} : vector<16x4096xf32> to vector<1x4096xf32>
    %convert_element_type3A_209 = arith.truncf %slice3A_208 : vector<1x4096xf32> to vector<1x4096xbf16>
    %concatenate3A_210 = tpu.concatenate %convert_element_type3A_203, %convert_element_type3A_205, %convert_element_type3A_207, %convert_element_type3A_209, %convert_element_type3A, %convert_element_type3A_35, %convert_element_type3A_36 in 0 : vector<1x4096xbf16>, vector<1x4096xbf16>, vector<1x4096xbf16>, vector<1x4096xbf16>, vector<1x4096xbf16>, vector<1x4096xbf16>, vector<1x4096xbf16> -> vector<7x4096xbf16>
    %dot_general3A_211 = arith.constant dense<0.000000e+00> : vector<16x4096xf32>
    %dot_general3A_212 = tpu.matmul %transpose3A, %concatenate3A_210, %dot_general3A_211 {dimension_numbers = #tpu.dot_dimension_numbers<[1], [0], [0], [1], [0, 0, 1, 1], [], []>, transpose_lhs_hint = false} : vector<16x7xf32>, vector<7x4096xbf16>, vector<16x4096xf32> -> vector<16x4096xf32>
    %add3A_213 = vector.broadcast %transpose3A_34 : vector<16x1xf32> to vector<16x4096xf32>
    %add3A_214 = arith.addf %dot_general3A_212, %add3A_213 : vector<16x4096xf32>
    %tanh3A_215 = math.tanh %add3A_214 : vector<16x4096xf32>
    %convert_element_type3A_216 = arith.truncf %tanh3A_215 : vector<16x4096xf32> to vector<16x4096xbf16>
    %dot_general3A_217 = arith.constant dense<0.000000e+00> : vector<1x4096xf32>
    %dot_general3A_218 = tpu.matmul %transpose3A_30, %convert_element_type3A_216, %dot_general3A_217 {dimension_numbers = #tpu.dot_dimension_numbers<[1], [0], [0], [1], [0, 0, 1, 1], [], []>, transpose_lhs_hint = false} : vector<1x16xf32>, vector<16x4096xbf16>, vector<1x4096xf32> -> vector<1x4096xf32>
    %slice3A_219 = vector.extract_strided_slice %get3A_3 {offsets = [11, 0], sizes = [1, 4096], strides = [1, 1]} : vector<16x4096xf32> to vector<1x4096xf32>
    %convert_element_type3A_220 = arith.truncf %slice3A_219 : vector<1x4096xf32> to vector<1x4096xbf16>
    %slice3A_221 = vector.extract_strided_slice %get3A_8 {offsets = [11, 0], sizes = [1, 4096], strides = [1, 1]} : vector<16x4096xf32> to vector<1x4096xf32>
    %convert_element_type3A_222 = arith.truncf %slice3A_221 : vector<1x4096xf32> to vector<1x4096xbf16>
    %slice3A_223 = vector.extract_strided_slice %cos3A {offsets = [11, 0], sizes = [1, 4096], strides = [1, 1]} : vector<16x4096xf32> to vector<1x4096xf32>
    %convert_element_type3A_224 = arith.truncf %slice3A_223 : vector<1x4096xf32> to vector<1x4096xbf16>
    %slice3A_225 = vector.extract_strided_slice %sin3A {offsets = [11, 0], sizes = [1, 4096], strides = [1, 1]} : vector<16x4096xf32> to vector<1x4096xf32>
    %convert_element_type3A_226 = arith.truncf %slice3A_225 : vector<1x4096xf32> to vector<1x4096xbf16>
    %concatenate3A_227 = tpu.concatenate %convert_element_type3A_220, %convert_element_type3A_222, %convert_element_type3A_224, %convert_element_type3A_226, %convert_element_type3A, %convert_element_type3A_35, %convert_element_type3A_36 in 0 : vector<1x4096xbf16>, vector<1x4096xbf16>, vector<1x4096xbf16>, vector<1x4096xbf16>, vector<1x4096xbf16>, vector<1x4096xbf16>, vector<1x4096xbf16> -> vector<7x4096xbf16>
    %dot_general3A_228 = arith.constant dense<0.000000e+00> : vector<16x4096xf32>
    %dot_general3A_229 = tpu.matmul %transpose3A, %concatenate3A_227, %dot_general3A_228 {dimension_numbers = #tpu.dot_dimension_numbers<[1], [0], [0], [1], [0, 0, 1, 1], [], []>, transpose_lhs_hint = false} : vector<16x7xf32>, vector<7x4096xbf16>, vector<16x4096xf32> -> vector<16x4096xf32>
    %add3A_230 = vector.broadcast %transpose3A_34 : vector<16x1xf32> to vector<16x4096xf32>
    %add3A_231 = arith.addf %dot_general3A_229, %add3A_230 : vector<16x4096xf32>
    %tanh3A_232 = math.tanh %add3A_231 : vector<16x4096xf32>
    %convert_element_type3A_233 = arith.truncf %tanh3A_232 : vector<16x4096xf32> to vector<16x4096xbf16>
    %dot_general3A_234 = arith.constant dense<0.000000e+00> : vector<1x4096xf32>
    %dot_general3A_235 = tpu.matmul %transpose3A_30, %convert_element_type3A_233, %dot_general3A_234 {dimension_numbers = #tpu.dot_dimension_numbers<[1], [0], [0], [1], [0, 0, 1, 1], [], []>, transpose_lhs_hint = false} : vector<1x16xf32>, vector<16x4096xbf16>, vector<1x4096xf32> -> vector<1x4096xf32>
    %slice3A_236 = vector.extract_strided_slice %get3A_3 {offsets = [12, 0], sizes = [1, 4096], strides = [1, 1]} : vector<16x4096xf32> to vector<1x4096xf32>
    %convert_element_type3A_237 = arith.truncf %slice3A_236 : vector<1x4096xf32> to vector<1x4096xbf16>
    %slice3A_238 = vector.extract_strided_slice %get3A_8 {offsets = [12, 0], sizes = [1, 4096], strides = [1, 1]} : vector<16x4096xf32> to vector<1x4096xf32>
    %convert_element_type3A_239 = arith.truncf %slice3A_238 : vector<1x4096xf32> to vector<1x4096xbf16>
    %slice3A_240 = vector.extract_strided_slice %cos3A {offsets = [12, 0], sizes = [1, 4096], strides = [1, 1]} : vector<16x4096xf32> to vector<1x4096xf32>
    %convert_element_type3A_241 = arith.truncf %slice3A_240 : vector<1x4096xf32> to vector<1x4096xbf16>
    %slice3A_242 = vector.extract_strided_slice %sin3A {offsets = [12, 0], sizes = [1, 4096], strides = [1, 1]} : vector<16x4096xf32> to vector<1x4096xf32>
    %convert_element_type3A_243 = arith.truncf %slice3A_242 : vector<1x4096xf32> to vector<1x4096xbf16>
    %concatenate3A_244 = tpu.concatenate %convert_element_type3A_237, %convert_element_type3A_239, %convert_element_type3A_241, %convert_element_type3A_243, %convert_element_type3A, %convert_element_type3A_35, %convert_element_type3A_36 in 0 : vector<1x4096xbf16>, vector<1x4096xbf16>, vector<1x4096xbf16>, vector<1x4096xbf16>, vector<1x4096xbf16>, vector<1x4096xbf16>, vector<1x4096xbf16> -> vector<7x4096xbf16>
    %dot_general3A_245 = arith.constant dense<0.000000e+00> : vector<16x4096xf32>
    %dot_general3A_246 = tpu.matmul %transpose3A, %concatenate3A_244, %dot_general3A_245 {dimension_numbers = #tpu.dot_dimension_numbers<[1], [0], [0], [1], [0, 0, 1, 1], [], []>, transpose_lhs_hint = false} : vector<16x7xf32>, vector<7x4096xbf16>, vector<16x4096xf32> -> vector<16x4096xf32>
    %add3A_247 = vector.broadcast %transpose3A_34 : vector<16x1xf32> to vector<16x4096xf32>
    %add3A_248 = arith.addf %dot_general3A_246, %add3A_247 : vector<16x4096xf32>
    %tanh3A_249 = math.tanh %add3A_248 : vector<16x4096xf32>
    %convert_element_type3A_250 = arith.truncf %tanh3A_249 : vector<16x4096xf32> to vector<16x4096xbf16>
    %dot_general3A_251 = arith.constant dense<0.000000e+00> : vector<1x4096xf32>
    %dot_general3A_252 = tpu.matmul %transpose3A_30, %convert_element_type3A_250, %dot_general3A_251 {dimension_numbers = #tpu.dot_dimension_numbers<[1], [0], [0], [1], [0, 0, 1, 1], [], []>, transpose_lhs_hint = false} : vector<1x16xf32>, vector<16x4096xbf16>, vector<1x4096xf32> -> vector<1x4096xf32>
    %slice3A_253 = vector.extract_strided_slice %get3A_3 {offsets = [13, 0], sizes = [1, 4096], strides = [1, 1]} : vector<16x4096xf32> to vector<1x4096xf32>
    %convert_element_type3A_254 = arith.truncf %slice3A_253 : vector<1x4096xf32> to vector<1x4096xbf16>
    %slice3A_255 = vector.extract_strided_slice %get3A_8 {offsets = [13, 0], sizes = [1, 4096], strides = [1, 1]} : vector<16x4096xf32> to vector<1x4096xf32>
    %convert_element_type3A_256 = arith.truncf %slice3A_255 : vector<1x4096xf32> to vector<1x4096xbf16>
    %slice3A_257 = vector.extract_strided_slice %cos3A {offsets = [13, 0], sizes = [1, 4096], strides = [1, 1]} : vector<16x4096xf32> to vector<1x4096xf32>
    %convert_element_type3A_258 = arith.truncf %slice3A_257 : vector<1x4096xf32> to vector<1x4096xbf16>
    %slice3A_259 = vector.extract_strided_slice %sin3A {offsets = [13, 0], sizes = [1, 4096], strides = [1, 1]} : vector<16x4096xf32> to vector<1x4096xf32>
    %convert_element_type3A_260 = arith.truncf %slice3A_259 : vector<1x4096xf32> to vector<1x4096xbf16>
    %concatenate3A_261 = tpu.concatenate %convert_element_type3A_254, %convert_element_type3A_256, %convert_element_type3A_258, %convert_element_type3A_260, %convert_element_type3A, %convert_element_type3A_35, %convert_element_type3A_36 in 0 : vector<1x4096xbf16>, vector<1x4096xbf16>, vector<1x4096xbf16>, vector<1x4096xbf16>, vector<1x4096xbf16>, vector<1x4096xbf16>, vector<1x4096xbf16> -> vector<7x4096xbf16>
    %dot_general3A_262 = arith.constant dense<0.000000e+00> : vector<16x4096xf32>
    %dot_general3A_263 = tpu.matmul %transpose3A, %concatenate3A_261, %dot_general3A_262 {dimension_numbers = #tpu.dot_dimension_numbers<[1], [0], [0], [1], [0, 0, 1, 1], [], []>, transpose_lhs_hint = false} : vector<16x7xf32>, vector<7x4096xbf16>, vector<16x4096xf32> -> vector<16x4096xf32>
    %add3A_264 = vector.broadcast %transpose3A_34 : vector<16x1xf32> to vector<16x4096xf32>
    %add3A_265 = arith.addf %dot_general3A_263, %add3A_264 : vector<16x4096xf32>
    %tanh3A_266 = math.tanh %add3A_265 : vector<16x4096xf32>
    %convert_element_type3A_267 = arith.truncf %tanh3A_266 : vector<16x4096xf32> to vector<16x4096xbf16>
    %dot_general3A_268 = arith.constant dense<0.000000e+00> : vector<1x4096xf32>
    %dot_general3A_269 = tpu.matmul %transpose3A_30, %convert_element_type3A_267, %dot_general3A_268 {dimension_numbers = #tpu.dot_dimension_numbers<[1], [0], [0], [1], [0, 0, 1, 1], [], []>, transpose_lhs_hint = false} : vector<1x16xf32>, vector<16x4096xbf16>, vector<1x4096xf32> -> vector<1x4096xf32>
    %slice3A_270 = vector.extract_strided_slice %get3A_3 {offsets = [14, 0], sizes = [1, 4096], strides = [1, 1]} : vector<16x4096xf32> to vector<1x4096xf32>
    %convert_element_type3A_271 = arith.truncf %slice3A_270 : vector<1x4096xf32> to vector<1x4096xbf16>
    %slice3A_272 = vector.extract_strided_slice %get3A_8 {offsets = [14, 0], sizes = [1, 4096], strides = [1, 1]} : vector<16x4096xf32> to vector<1x4096xf32>
    %convert_element_type3A_273 = arith.truncf %slice3A_272 : vector<1x4096xf32> to vector<1x4096xbf16>
    %slice3A_274 = vector.extract_strided_slice %cos3A {offsets = [14, 0], sizes = [1, 4096], strides = [1, 1]} : vector<16x4096xf32> to vector<1x4096xf32>
    %convert_element_type3A_275 = arith.truncf %slice3A_274 : vector<1x4096xf32> to vector<1x4096xbf16>
    %slice3A_276 = vector.extract_strided_slice %sin3A {offsets = [14, 0], sizes = [1, 4096], strides = [1, 1]} : vector<16x4096xf32> to vector<1x4096xf32>
    %convert_element_type3A_277 = arith.truncf %slice3A_276 : vector<1x4096xf32> to vector<1x4096xbf16>
    %concatenate3A_278 = tpu.concatenate %convert_element_type3A_271, %convert_element_type3A_273, %convert_element_type3A_275, %convert_element_type3A_277, %convert_element_type3A, %convert_element_type3A_35, %convert_element_type3A_36 in 0 : vector<1x4096xbf16>, vector<1x4096xbf16>, vector<1x4096xbf16>, vector<1x4096xbf16>, vector<1x4096xbf16>, vector<1x4096xbf16>, vector<1x4096xbf16> -> vector<7x4096xbf16>
    %dot_general3A_279 = arith.constant dense<0.000000e+00> : vector<16x4096xf32>
    %dot_general3A_280 = tpu.matmul %transpose3A, %concatenate3A_278, %dot_general3A_279 {dimension_numbers = #tpu.dot_dimension_numbers<[1], [0], [0], [1], [0, 0, 1, 1], [], []>, transpose_lhs_hint = false} : vector<16x7xf32>, vector<7x4096xbf16>, vector<16x4096xf32> -> vector<16x4096xf32>
    %add3A_281 = vector.broadcast %transpose3A_34 : vector<16x1xf32> to vector<16x4096xf32>
    %add3A_282 = arith.addf %dot_general3A_280, %add3A_281 : vector<16x4096xf32>
    %tanh3A_283 = math.tanh %add3A_282 : vector<16x4096xf32>
    %convert_element_type3A_284 = arith.truncf %tanh3A_283 : vector<16x4096xf32> to vector<16x4096xbf16>
    %dot_general3A_285 = arith.constant dense<0.000000e+00> : vector<1x4096xf32>
    %dot_general3A_286 = tpu.matmul %transpose3A_30, %convert_element_type3A_284, %dot_general3A_285 {dimension_numbers = #tpu.dot_dimension_numbers<[1], [0], [0], [1], [0, 0, 1, 1], [], []>, transpose_lhs_hint = false} : vector<1x16xf32>, vector<16x4096xbf16>, vector<1x4096xf32> -> vector<1x4096xf32>
    %slice3A_287 = vector.extract_strided_slice %get3A_3 {offsets = [15, 0], sizes = [1, 4096], strides = [1, 1]} : vector<16x4096xf32> to vector<1x4096xf32>
    %convert_element_type3A_288 = arith.truncf %slice3A_287 : vector<1x4096xf32> to vector<1x4096xbf16>
    %slice3A_289 = vector.extract_strided_slice %get3A_8 {offsets = [15, 0], sizes = [1, 4096], strides = [1, 1]} : vector<16x4096xf32> to vector<1x4096xf32>
    %convert_element_type3A_290 = arith.truncf %slice3A_289 : vector<1x4096xf32> to vector<1x4096xbf16>
    %slice3A_291 = vector.extract_strided_slice %cos3A {offsets = [15, 0], sizes = [1, 4096], strides = [1, 1]} : vector<16x4096xf32> to vector<1x4096xf32>
    %convert_element_type3A_292 = arith.truncf %slice3A_291 : vector<1x4096xf32> to vector<1x4096xbf16>
    %slice3A_293 = vector.extract_strided_slice %sin3A {offsets = [15, 0], sizes = [1, 4096], strides = [1, 1]} : vector<16x4096xf32> to vector<1x4096xf32>
    %convert_element_type3A_294 = arith.truncf %slice3A_293 : vector<1x4096xf32> to vector<1x4096xbf16>
    %concatenate3A_295 = tpu.concatenate %convert_element_type3A_288, %convert_element_type3A_290, %convert_element_type3A_292, %convert_element_type3A_294, %convert_element_type3A, %convert_element_type3A_35, %convert_element_type3A_36 in 0 : vector<1x4096xbf16>, vector<1x4096xbf16>, vector<1x4096xbf16>, vector<1x4096xbf16>, vector<1x4096xbf16>, vector<1x4096xbf16>, vector<1x4096xbf16> -> vector<7x4096xbf16>
    %dot_general3A_296 = arith.constant dense<0.000000e+00> : vector<16x4096xf32>
    %dot_general3A_297 = tpu.matmul %transpose3A, %concatenate3A_295, %dot_general3A_296 {dimension_numbers = #tpu.dot_dimension_numbers<[1], [0], [0], [1], [0, 0, 1, 1], [], []>, transpose_lhs_hint = false} : vector<16x7xf32>, vector<7x4096xbf16>, vector<16x4096xf32> -> vector<16x4096xf32>
    %add3A_298 = vector.broadcast %transpose3A_34 : vector<16x1xf32> to vector<16x4096xf32>
    %add3A_299 = arith.addf %dot_general3A_297, %add3A_298 : vector<16x4096xf32>
    %tanh3A_300 = math.tanh %add3A_299 : vector<16x4096xf32>
    %convert_element_type3A_301 = arith.truncf %tanh3A_300 : vector<16x4096xf32> to vector<16x4096xbf16>
    %dot_general3A_302 = arith.constant dense<0.000000e+00> : vector<1x4096xf32>
    %dot_general3A_303 = tpu.matmul %transpose3A_30, %convert_element_type3A_301, %dot_general3A_302 {dimension_numbers = #tpu.dot_dimension_numbers<[1], [0], [0], [1], [0, 0, 1, 1], [], []>, transpose_lhs_hint = false} : vector<1x16xf32>, vector<16x4096xbf16>, vector<1x4096xf32> -> vector<1x4096xf32>
    %concatenate3A_304 = tpu.concatenate %dot_general3A_48, %dot_general3A_65, %dot_general3A_82, %dot_general3A_99, %dot_general3A_116, %dot_general3A_133, %dot_general3A_150, %dot_general3A_167, %dot_general3A_184, %dot_general3A_201, %dot_general3A_218, %dot_general3A_235, %dot_general3A_252, %dot_general3A_269, %dot_general3A_286, %dot_general3A_303 in 0 : vector<1x4096xf32>, vector<1x4096xf32>, vector<1x4096xf32>, vector<1x4096xf32>, vector<1x4096xf32>, vector<1x4096xf32>, vector<1x4096xf32>, vector<1x4096xf32>, vector<1x4096xf32>, vector<1x4096xf32>, vector<1x4096xf32>, vector<1x4096xf32>, vector<1x4096xf32>, vector<1x4096xf32>, vector<1x4096xf32>, vector<1x4096xf32> -> vector<16x4096xf32>
    %get3A_305 = arith.constant 0 : index
    %get3A_306 = arith.constant 0 : index
    %get3A_307 = vector.load %arg9[%get3A_305, %get3A_306] : memref<1x1xf32, #tpu.memory_space<vmem>>, vector<1x1xf32>
    %get3A_308 = vector.extract %get3A_307[0, 0] : f32 from vector<1x1xf32>
    %add3A_309 = vector.broadcast %get3A_308 : f32 to vector<16x4096xf32>
    %add3A_310 = arith.addf %concatenate3A_304, %add3A_309 : vector<16x4096xf32>
    %tanh3A_311 = math.tanh %add3A_310 : vector<16x4096xf32>
    %mul3A = arith.constant 1.000000e+01 : f32
    %mul3A_312 = vector.broadcast %mul3A : f32 to vector<16x4096xf32>
    %mul3A_313 = arith.mulf %mul3A_312, %tanh3A_311 : vector<16x4096xf32>
    %swap3A = arith.constant 0 : index
    %swap3A_314 = arith.constant 0 : index
    %swap3A_315 = arith.constant 0 : index
    %swap3A_316 = vector.load %arg10[%swap3A, %swap3A_314, %swap3A_315] : memref<1x16x4096xf32, #tpu.memory_space<vmem>>, vector<1x16x4096xf32>
    %swap3A_317 = vector.shape_cast %swap3A_316 : vector<1x16x4096xf32> to vector<16x4096xf32>
    %swap3A_318 = vector.shape_cast %mul3A_313 : vector<16x4096xf32> to vector<1x16x4096xf32>
    tpu.vector_store %arg10[%swap3A, %swap3A_314, %swap3A_315], %swap3A_318 {strides = array<i32>} : memref<1x16x4096xf32, #tpu.memory_space<vmem>>, vector<1x16x4096xf32>,
    return
  }
  func.func @transform_0(%arg0: i32) -> (i32, i32, i32) {
    %c0_i32 = arith.constant 0 : i32
    %c0_i32_0 = arith.constant 0 : i32
    %c0_i32_1 = arith.constant 0 : i32
    return %arg0, %c0_i32, %c0_i32_0 : i32, i32, i32
  }
  func.func @transform_1(%arg0: i32) -> (i32, i32, i32) {
    %c0_i32 = arith.constant 0 : i32
    %c0_i32_0 = arith.constant 0 : i32
    %c0_i32_1 = arith.constant 0 : i32
    return %arg0, %c0_i32, %c0_i32_0 : i32, i32, i32
  }
  func.func @transform_2(%arg0: i32) -> (i32, i32, i32) {
    %c0_i32 = arith.constant 0 : i32
    %c0_i32_0 = arith.constant 0 : i32
    %c0_i32_1 = arith.constant 0 : i32
    return %arg0, %c0_i32, %c0_i32_0 : i32, i32, i32
  }
  func.func @transform_3(%arg0: i32) -> (i32, i32, i32) {
    %c0_i32 = arith.constant 0 : i32
    %c0_i32_0 = arith.constant 0 : i32
    %c0_i32_1 = arith.constant 0 : i32
    return %arg0, %c0_i32, %c0_i32_0 : i32, i32, i32
  }
  func.func @transform_4(%arg0: i32) -> (i32, i32, i32) {
    %c0_i32 = arith.constant 0 : i32
    %c0_i32_0 = arith.constant 0 : i32
    %c0_i32_1 = arith.constant 0 : i32
    return %arg0, %c0_i32, %c0_i32_0 : i32, i32, i32
  }
  func.func @transform_5(%arg0: i32) -> (i32, i32) {
    %c0_i32 = arith.constant 0 : i32
    %c0_i32_0 = arith.constant 0 : i32
    %c0_i32_1 = arith.constant 0 : i32
    return %c0_i32, %c0_i32_0 : i32, i32
  }
  func.func @transform_6(%arg0: i32) -> (i32, i32) {
    %c0_i32 = arith.constant 0 : i32
    %c0_i32_0 = arith.constant 0 : i32
    %c0_i32_1 = arith.constant 0 : i32
    return %c0_i32, %c0_i32_0 : i32, i32
  }
  func.func @transform_7(%arg0: i32) -> (i32, i32) {
    %c0_i32 = arith.constant 0 : i32
    %c0_i32_0 = arith.constant 0 : i32
    %c0_i32_1 = arith.constant 0 : i32
    return %c0_i32, %c0_i32_0 : i32, i32
  }
  func.func @transform_8(%arg0: i32) -> (i32, i32) {
    %c0_i32 = arith.constant 0 : i32
    %c0_i32_0 = arith.constant 0 : i32
    %c0_i32_1 = arith.constant 0 : i32
    return %c0_i32, %c0_i32_0 : i32, i32
  }
  func.func @transform_9(%arg0: i32) -> (i32, i32, i32) {
    %c0_i32 = arith.constant 0 : i32
    %c0_i32_0 = arith.constant 0 : i32
    %c0_i32_1 = arith.constant 0 : i32
    return %arg0, %c0_i32, %c0_i32_0 : i32, i32, i32
  }
}

</mosaic_0001>

<sc_bundles>
// kernel: kernel.4.cloned.1.call-start
scs
__scs_entry_jumppad:
0x0: {  	(pc) =	sbr.rel $0x88, $3  }
0x1: {  	(tag) =	ssettag $0x0;
	lr =	simm.s32 $0x1  }
0x2: {  	[smem:$0x3F99] =	sst lr;
	_ =	strace $0xD0000000  }
0x3: {  	_ = 	snop  }
0x4: {  	_ = 	snop  }
0x5: {  	_ = 	snop  }
0x6: {  	_ = 	snop  }
0x7: {  	_ = 	snop  }
__scs_overlays_trampoline_lowered:
0x8: {  	[smem:$0x3FA8] =	sst s0  }
0x9: {  	[smem:$0x3FA9] =	sst s1  }
0xa: {  	[smem:$0x3FAA] =	sst s2  }
0xb: {  	[smem:$0x3FAB] =	sst s3  }
0xc: {  	[smem:$0x3FAC] =	sst s4  }
0xd: {  	[smem:$0x3FAD] =	sst s5  }
0xe: {  	[smem:$0x3FAE] =	sst s6  }
0xf: {  	[smem:$0x3FAF] =	sst s7  }
0x10: {  	[smem:$0x3FB0] =	sst s8  }
0x11: {  	[smem:$0x3FB1] =	sst s9;
	s0 =	simm.s32 @!p0 $0x0  }
0x12: {  	s1 =	sld [smem:$0x3F97];
	s0 =	simm.s32 @p0 $0x1  }
0x13: {  	[smem:$0x3FB2] =	sst s0;
	s0 =	simm.s32 @!p1 $0x0  }
0x14: {  	s2 =	sld [smem:$0x3F96];
	s0 =	simm.s32 @p1 $0x1  }
0x15: {  	[smem:$0x3FB3] =	sst s0;
	s0 =	simm.s32 @!p2 $0x0  }
0x16: {  	s3 =	sld [smem:$0x3FDB];
	s0 =	simm.s32 @p2 $0x1  }
0x17: {  	s4 =	simm.s32 $0x1BF5;
	[smem:$0x3FB5] =	sst s0  }
0x18: {  	s0 =	sld [smem:$0x3F98];
	_ =	swait.ge [sflag:s4], $0x0  }
0x19: {  	s7 =	sld [smem:$0x3F99]  }
0x1a: {  	s8 =	sadd.s32 $0xFFFFE003, lr  }
0x1b: {  	s9 =	sadd.s32 $0xFFFFFEF7, lr;
	s5 =	simm.s32 $0xFFFFFFFF;
	p2 =	slt.u32 s8, $0xFFFFF086  }
0x1c: {  	p1 =	slt.u32 s9, $0xF7A;
	s5 =	simm.s32 @!p2 $0x0  }
0x1d: {  	s5 =	simm.s32 @p1 $0x1;
	p0 =	seq.s32 s7, s2  }
0x1e: {  	s7 =	smul.u32 @!p0 $0xF7A, s2;
	p2 =	seq.s32 @!p0 s5, $0x0  }
0x1f: {  	s9 =	smul.u32 $0xF7A, s1;
	s8 =	simm.s32 @!p0 $0x1BF5;
	p2 =	por !p2, p0  }
0x20: {  	[sflag:s8] =	ssyncset.s32 @!p0 $0xFFFFF086;
	s6 =	sadd.s32 @!p0 s3, s7;
	s7 =	simm.s32 @!p0 $0x108  }
0x21: {  	s3 =	sadd.s32 s3, s9;
	s6 =	sadd.s32 @!p0 $0x88, s6;
	s7 =	simm.s32 @p2 $0x1082  }
0x22: {  	[simem:s7], [sflag:s8] =	dma.local @!p0 [hbm:s6], $0xF7A  }
0x23: {  	s9 =	sor.u32 $0xD0000000, s2;
	s6 =	simm.s32 $0x108;
	_ =	swait.ge @!p0 [sflag:s8], $0x0  }
0x24: {  	s3 =	sadd.s32 $0x88, s3;
	s6 =	simm.s32 @!p1 $0x1082;
	[sflag:s4] =	ssyncset.s32 $0xFFFFF086  }
0x25: {  	[simem:s6], [sflag:s4] =	dma.local [hbm:s3], $0xF7A  }
0x26: {  	[smem:$0x3F99] =	sst s1;
	(tag) =	ssettag s2;
	_ =	strace s9  }
0x27: {  	s1 =	sld [smem:$0x3FA9]  }
0x28: {  	s2 =	sld [smem:$0x3FAA]  }
0x29: {  	s4 =	sld [smem:$0x3FAC]  }
0x2a: {  	p0 =	seq.s32 s5, $0x0;
	s5 =	sld [smem:$0x3FAD]  }
0x2b: {  	s6 =	sld [smem:$0x3FAE]  }
0x2c: {  	s7 =	sld [smem:$0x3FAF]  }
0x2d: {  	s3 =	simm.s32 $0x108;
	s8 =	sld [smem:$0x3FB0]  }
0x2e: {  	s3 =	simm.s32 @!p0 $0x1082;
	s9 =	sld [smem:$0x3FB1]  }
0x2f: {  	lr =	sadd.s32 s0, s3;
	s0 =	sld [smem:$0x3FA8]  }
0x30: {  	s3 =	sld [smem:$0x3FAB]  }
0x31: {  	[smem:$0x3FB4] =	sst s10  }
0x32: {  	s10 =	sld [smem:$0x3FB2];
	_ =	sdelay $0x3  }
0x33: {  	p0 =	seq.s32 s10, $0x1;
	s10 =	sld [smem:$0x3FB4];
	_ =	sdelay $0x3  }
0x34: {  	[smem:$0x3FB4] =	sst s10  }
0x35: {  	s10 =	sld [smem:$0x3FB3];
	_ =	sdelay $0x3  }
0x36: {  	p1 =	seq.s32 s10, $0x1;
	s10 =	sld [smem:$0x3FB4];
	_ =	sdelay $0x3  }
0x37: {  	[smem:$0x3FB4] =	sst s10  }
0x38: {  	s10 =	sld [smem:$0x3FB5]  }
0x39: {  	_ = 	snop;
	(pc) =	sbr.ind lr, $3  }
0x3a: {  	_ = 	snop  }
0x3b: {  	_ = 	snop  }
0x3c: {  	p2 =	seq.s32 s10, $0x1;
	s10 =	sld [smem:$0x3FB4]  }
0x3d: {  	_ =	shalt  }
0x3e: {  	_ =	shalt  }
0x3f: {  	_ =	shalt  }
0x40: {  	_ =	shalt  }
0x41: {  	_ =	shalt  }
0x42: {  	_ =	shalt  }
0x43: {  	_ =	shalt  }
0x44: {  	_ =	shalt  }
0x45: {  	_ =	shalt  }
0x46: {  	_ =	shalt  }
0x47: {  	_ =	shalt  }
0x48: {  	_ =	shalt  }
0x49: {  	_ =	shalt  }
0x4a: {  	_ =	shalt  }
0x4b: {  	_ =	shalt  }
0x4c: {  	_ =	shalt  }
0x4d: {  	_ =	shalt  }
0x4e: {  	_ =	shalt  }
0x4f: {  	_ =	shalt  }
0x50: {  	_ =	shalt  }
0x51: {  	_ =	shalt  }
0x52: {  	_ =	shalt  }
0x53: {  	_ =	shalt  }
0x54: {  	_ =	shalt  }
0x55: {  	_ =	shalt  }
0x56: {  	_ =	shalt  }
0x57: {  	_ =	shalt  }
0x58: {  	_ =	shalt  }
0x59: {  	_ =	shalt  }
0x5a: {  	_ =	shalt  }
0x5b: {  	_ =	shalt  }
0x5c: {  	_ =	shalt  }
0x5d: {  	_ =	shalt  }
0x5e: {  	_ =	shalt  }
0x5f: {  	_ =	shalt  }
0x60: {  	_ =	shalt  }
0x61: {  	_ =	shalt  }
0x62: {  	_ =	shalt  }
0x63: {  	_ =	shalt  }
0x64: {  	_ =	shalt  }
0x65: {  	_ =	shalt  }
0x66: {  	_ =	shalt  }
0x67: {  	_ =	shalt  }
0x68: {  	_ =	shalt  }
0x69: {  	_ =	shalt  }
0x6a: {  	_ =	shalt  }
0x6b: {  	_ =	shalt  }
0x6c: {  	_ =	shalt  }
0x6d: {  	_ =	shalt  }
0x6e: {  	_ =	shalt  }
0x6f: {  	_ =	shalt  }
0x70: {  	_ =	shalt  }
0x71: {  	_ =	shalt  }
0x72: {  	_ =	shalt  }
0x73: {  	_ =	shalt  }
0x74: {  	_ =	shalt  }
0x75: {  	_ =	shalt  }
0x76: {  	_ =	shalt  }
0x77: {  	_ =	shalt  }
0x78: {  	_ =	shalt  }
0x79: {  	_ =	shalt  }
0x7a: {  	_ =	shalt  }
0x7b: {  	_ =	shalt  }
0x7c: {  	_ =	shalt  }
0x7d: {  	_ =	shalt  }
0x7e: {  	_ =	shalt  }
0x7f: {  	_ =	shalt  }
0x80: {  	_ =	shalt  }
0x81: {  	_ =	shalt  }
0x82: {  	_ =	shalt  }
0x83: {  	_ =	shalt  }
0x84: {  	_ =	shalt  }
0x85: {  	_ =	shalt  }
0x86: {  	_ =	shalt  }
0x87: {  	_ =	shalt  }
.Lfunc_end0:
.L_simem_size_0:
called_computation_lowered:
.L_overlay_start_0:
0x88: {  	s2 =	sld [smem:$0x3FD9]  }
0x89: {  	s3 =	sld [smem:$0x3FFE];
	_ =	sdelay $0x1  }
0x8a: {  	s1 =	srdreg.scid  }
0x8b: {  	s0 =	sand.u32 $0x1, s1  }
0x8c: {  	s14 =	sshll.u32 s0, $0xA;
	s2 =	sadd.s32 s3, s2  }
0x8d: {  	s2 =	sadd.s32 s2, s14  }
0x8e: {  	[smem:$0x3FC0] =	sst s2  }
0x8f: {  	_ = 	snop  }
0x90: {  	s2 =	sld [smem:$0x3FD0];
	_ =	sdelay $0x2  }
0x91: {  	s15 =	simm.s32 $0xA;
	s4 =	simm.s32 $0x10  }
0x92: {  	[smem:s4], [sflag:s15] =	dma.local [hbm:s2], $0x1  }
0x93: {  	_ =	swait.eq [sflag:s15], $0x1  }
0x94: {  	[sflag:s15] =	ssyncset.done $0x0  }
0x95: {  	[sflag:s15] =	ssyncadd.s32 $0xFFFFFFFF  }
0x96: {  	s16 =	sld [smem:$0x11];
	(tm) =	ssettm $0x1  }
0x97: {  	s17 =	sld [smem:$0x3FFB];
	_ =	sdelay $0x3  }
0x98: {  	_ =	strace s17  }
0x99: {  	s3 =	sld [smem:$0x3FFC];
	_ =	sdelay $0x3  }
0x9a: {  	_ =	strace s3  }
0x9b: {  	s3 =	sld [smem:$0x3FFD];
	_ =	sdelay $0x3  }
0x9c: {  	_ =	strace s3  }
0x9d: {  	_ =	strace $0x8FFFFFFF  }
0x9e: {  	s18 =	sld [smem:$0x3FDB];
	_ =	sdelay $0x1  }
0x9f: {  	s19 =	simm.s32 $_scs_section_size  }
0xa0: {  	s5 =	simm.s32 $_size__tile_overlayer_lowered;
	s6 =	simm.s32 $_tile_overlayer_lowered  }
0xa1: {  	s22 =	simm.s32 $0x1BFF;
	s21 =	sshll.u32 s6, $0x1;
	s3 =	sadd.s32 s19, s18  }
0xa2: {  	s7 =	simm.s32 $0x0;
	s20 =	sshll.u32 s5, $0x1;
	s5 =	sadd.s32 s21, s3  }
0xa3: {  	[timem:s7], [sflag:s22] =	dma.local [hbm:s5], s20  }
0xa4: {  	_ =	swait.ge [sflag:s22], s20  }
0xa5: {  	s4 =	ssub.s32 $0x0, s20;
	[sflag:s22] =	ssyncset.done $0x0  }
0xa6: {  	[sflag:s22] =	ssyncadd.s32 s4;
	_ =	sdelay $0x1  }
0xa7: {  	s23 =	simm.s32 $0x1B8B  }
0xa8: {  	_ =	swait.ge [sflag:s23], $0x1  }
0xa9: {  	[sflag:s23] =	ssyncset.done $0x0  }
0xaa: {  	s25 =	simm.s32 $0x1B8E;
	s24 =	sld [smem:$0x3FFE];
	[sflag:s23] =	ssyncadd.s32 $0xFFFFFFFF  }
0xab: {  	s26 =	simm.s32 $execute0_lowered;
	[smem:$0x3FD2] =	sst s25  }
0xac: {  	s5 =	sshll.u32 s26, $0x1;
	_ =	strace $0x80000046;
	[dreg:$0x1] =	wrdreg $0xFFFFFFFF  }
0xad: {  	s28 =	simm.s32 $_size_execute0_lowered;
	s3 =	sadd.s32 s3, s5;
	[dreg:$0x0] =	wrdreg $0x0  }
0xae: {  	s5 =	sshll.u32 s28, $0x1;
	[dreg:$0x2] =	wrdreg s3  }
0xaf: {  	[dreg:$0x3] =	wrdreg s5  }
0xb0: {  	[dreg:$0x4] =	wrdreg $0xC0  }
0xb1: {  	_ =	task [dreg:s7], $0x5FFFF  }
0xb2: {  	[dreg:$0x1] =	wrdreg $0xFFFFFFFF  }
0xb3: {  	[dreg:$0x0] =	wrdreg $0x60  }
0xb4: {  	[dreg:$0x2] =	wrdreg s24  }
0xb5: {  	[dreg:$0x3] =	wrdreg s16  }
0xb6: {  	[dreg:$0x4] =	wrdreg $0x9  }
0xb7: {  	_ =	task.clear_ibuf [dreg:s7], $0x5FFFF;
	_ =	strace $0x90000046  }
0xb8: {  	s29 =	simm.s32 $0x9;
	_ =	strace $0x80000048  }
0xb9: {  	_ =	swait.ge [sflag:s29], $0x1  }
0xba: {  	[sflag:s29] =	ssyncadd.s32 $0xFFFFFFFF  }
0xbb: {  	_ =	strace $0x90000048  }
0xbc: {  	_ =	sfence  }
0xbd: {  	s30 =	sld [smem:$0x0];
	_ =	sdelay $0x2  }
0xbe: {  	s31 =	sshll.u32 s1, $0xD;
	s1 =	sshrl.u32 s1, $0x2  }
0xbf: {  	s3 =	sand.u32 $0x4000, s31;
	s1 =	sadd.s32 s1, s30  }
0xc0: {  	s0 =	sor.u32 s3, s0;
	s1 =	sshll.u32 s1, $0x11  }
0xc1: {  	s0 =	sor.u32 s1, s0  }
0xc2: {  	s0 =	sadd.s32 $0x8F2B, s0  }
0xc3: {  	[sflag:s0] =	ssyncadd.remote.s32 $0x1  }
0xc4: {  	_ =	sfence.sel $0xFFFF  }
0xc5: {  	[dreg:$0x0] =	wrdreg $0xFFFFFFFF;
	(pc) =	sbr.abs _section_cstart, $3  }
0xc6: {  	[dreg:$0x1] =	wrdreg $0xFFFFFFFF  }
0xc7: {  	_ =	task.clear_ibuf [dreg:s7], $0x2FFFF;
	_ =	strace $0x9FFFFFFF  }
0xc8: {  	(tm) =	ssettm $0x7FFFFFFF  }
0xc9: {  	_ =	shalt  }
tec
execute0_lowered:
.L_overlay_start_1:
0x0: {  	(tag) =	ssettag $0x1  }
0x1: {  	s6 =	rddreg [dreg:$0x0]  }
0x2: {  	s7 =	rddreg [dreg:$0x1]  }
0x3: {  	s0 =	rddreg [dreg:$0x2];
	s2 =	simm.s32 $0x0;
	s3 =	srdreg.scid  }
0x4: {  	s1 =	stileid.u32;
	s12 =	simm.s32 $0x1000;
	s13 =	simm.s32 $0x2000  }
0x5: {  	s14 =	simm.s32 $0x2080;
	s15 =	simm.s32 $0x0;
	[smem:$0x7FF] =	sst s2  }
0x6: {  	s5 =	sand.u32 $0x1, s3;
	s4 =	sshll.u32 s1, $0x5;
	s3 =	sadd.s32 $0x41400, s6  }
0x7: {  	_ =	strace $0x80000047;
	s8 =	sshll.u32 s5, $0x4;
	s31 =	ssub.s32 $0x2, s5  }
0x8: {  	s5 =	sadd.s32 $0x1400, s6;
	s4 =	sor.u32 s8, s4;
	s10 =	sshrl.u32 s31, $0x1  }
0x9: {  	s9 =	sshrl.u32 s4, $0x3;
	s8 =	ssub.s32 s31, s10;
	s10 =	simm.s32 $0x400  }
0xa: {  	v0 =	vlaneseq.u32;
	s11 =	sadd.s32 s9, s6;
	s6 =	sadd.s32 s7, s9;
	s8 =	smax.u32 s8, $0x1  }
0xb: {  	v3 =	vimm.s32 $0x0;
	v1 =	vor.u32 $0x80000000, v0;
	s9 =	simm.s32 $0x80;
	s7 =	sadd.s32 $0x81400, s11;
	s11 =	simm.s32 $0x1  }
.LBB2_1:
0xc: {  	v2 =	vimm.f32 $0.0e+00;
	v4 =	vimm.s32 $0x0;
	s16 =	simm.s32 $0x0  }
.LBB2_2:
0xd: {  	s17 =	sadd.s32 s4, s16  }
0xe: {  	s18 =	sshll.u32 s16, $0x4;
	s17 =	sshll.u32 s17, $0x9  }
0xf: {  	s18 =	sand.u32 $0x70, s18;
	s17 =	sand.u32 $0x3F000, s17  }
0x10: {  	s17 =	sor.u32 s18, s17  }
0x11: {  	s18 =	sadd.s32 s3, s17  }
0x12: {  	[tilespmem:s2], [sflag:$0x1] =	stream.strided.gather [hbm4b:s18+s9], $0x1000, s10, s9, $0x38;
	[tilespmem:$0x2100] =	vst v63  }
0x13: {  	_ =	swait.ge [sflag:s11], $0x1000  }
0x14: {  	[sflag:s11] =	ssyncset.done $0x0  }
0x15: {  	s17 =	sadd.s32 s5, s17;
	[sflag:s11] =	ssyncadd.s32 $0xFFFFF000  }
0x16: {  	[tilespmem:s12], [sflag:$0x1] =	stream.strided.gather [hbm4b:s17+s9], $0x1000, s10, s9, $0x38;
	[tilespmem:$0x2100] =	vst v63  }
0x17: {  	_ =	swait.ge [sflag:s11], $0x1000  }
0x18: {  	[sflag:s11] =	ssyncset.done $0x0  }
0x19: {  	s26 =	simm.s32 $0x40;
	[sflag:s11] =	ssyncadd.s32 $0xFFFFF000  }
0x1a: {  	s28 =	simm.s32 $0x1040;
	v14 =	vld [tilespmem:s26+$0xFFFFFFC0]  }
0x1b: {  	v5 =	vld [tilespmem:s28+$0xFFFFFFC0]  }
0x1c: {  	v15 =	vld [tilespmem:s26+$0xFFFFFFD0]  }
0x1d: {  	v8 =	vld [tilespmem:s28+$0xFFFFFFD0]  }
0x1e: {  	v6 =	vld [tilespmem:s26+$0xFFFFFFE0]  }
0x1f: {  	v10 =	vld [tilespmem:s28+$0xFFFFFFE0]  }
0x20: {  	v7 =	vld [tilespmem:s26+$0xFFFFFFF0];
	v5 =	vadd.f32 v5, v14  }
0x21: {  	v16 =	vimm.f32 $-Inf;
	v12 =	vld [tilespmem:s28+$0xFFFFFFF0]  }
0x22: {  	v9 =	vld [tilespmem:s26+$0x0];
	v8 =	vadd.f32 v8, v15;
	vm0 =	vgt.f32 v5, v16  }
0x23: {  	v13 =	vld [tilespmem:s28+$0x0];
	v5 =	vsel vm0, v5, v16  }
0x24: {  	v11 =	vld [tilespmem:s26+$0x10];
	v10 =	vadd.f32 v10, v6;
	vm1 =	vgt.f32 v8, v5  }
0x25: {  	s19 =	simm.s32 $0x0;
	v17 =	vld [tilespmem:s28+$0x10];
	v5 =	vsel vm1, v8, v5  }
0x26: {  	s29 =	simm.s32 $0x1;
	v19 =	vadd.f32 v12, v7;
	v12 =	vld [tilespmem:s28+$0x20];
	v18 =	vsel vm0, s19, v3;
	vm13 =	vgt.f32 v10, v5  }
0x27: {  	s30 =	simm.s32 $0x2;
	v8 =	vld [tilespmem:s26+$0x20];
	v18 =	vsel vm1, s29, v18;
	v5 =	vsel vm13, v10, v5  }
0x28: {  	s31 =	simm.s32 $0x3;
	v20 =	vadd.f32 v13, v9;
	v13 =	vld [tilespmem:s28+$0x30];
	v18 =	vsel vm13, s30, v18;
	vm14 =	vgt.f32 v19, v5  }
0x29: {  	s20 =	simm.s32 $0xC0;
	v10 =	vld [tilespmem:s26+$0x30];
	v19 =	vsel vm14, v19, v5;
	v21 =	vsel vm14, s31, v18  }
0x2a: {  	s22 =	simm.s32 $0x4;
	s18 =	simm.s32 $0x10C0;
	v5 =	vld [tilespmem:s20+$0xFFFFFFC0];
	v18 =	vmax.f32 v16, v14;
	v16 =	vadd.f32 v17, v11;
	vm15 =	vgt.f32 v20, v19  }
0x2b: {  	s21 =	simm.s32 $0x17;
	s17 =	simm.s32 $0xF;
	s19 =	simm.s32 $0x7;
	v14 =	vld [tilespmem:s18+$0xFFFFFFC0];
	v18 =	vmax.f32 v18, v15;
	v17 =	vsel vm15, v20, v19;
	v15 =	vsel vm15, s22, v21  }
.LBB2_3:
0x2c: {  	p0 =	sne.s32 s21, $0xFF;
	v19 =	vld [tilespmem:s20+$0xFFFFFFD0];
	v6 =	vmax.f32 v18, v6;
	s22 =	sadd.s32 $0xFFFFFFFE, s19;
	vm0 =	vgt.f32 v16, v17;
	v12 =	vadd.f32 v12, v8  }
0x2d: {  	v18 =	vld [tilespmem:s18+$0xFFFFFFD0];
	v7 =	vmax.f32 v6, v7;
	v16 =	vsel vm0, v16, v17;
	v15 =	vsel vm0, s22, v15  }
0x2e: {  	s22 =	sadd.s32 $0xFFFFFFFF, s19;
	v6 =	vld [tilespmem:s20+$0xFFFFFFE0];
	v7 =	vmax.f32 v7, v9;
	vm0 =	vgt.f32 v12, v16;
	v9 =	vadd.f32 v13, v10  }
0x2f: {  	v13 =	vld [tilespmem:s18+$0xFFFFFFE0];
	v11 =	vmax.f32 v7, v11;
	v12 =	vsel vm0, v12, v16;
	v15 =	vsel vm0, s22, v15  }
0x30: {  	v14 =	vadd.f32 v14, v5;
	v7 =	vld [tilespmem:s20+$0xFFFFFFF0];
	v8 =	vmax.f32 v11, v8;
	vm0 =	vgt.f32 v9, v12  }
0x31: {  	v16 =	vld [tilespmem:s18+$0xFFFFFFF0];
	v11 =	vsel vm0, v9, v12;
	v12 =	vsel vm0, s19, v15;
	v15 =	vmax.f32 v8, v10;
	s19 =	smov.u32 s17;
	s17 =	smov.u32 s21  }
0x32: {  	s22 =	sadd.s32 $0xFFFFFFF9, s19;
	vm0 =	vgt.f32 v14, v11;
	v8 =	vadd.f32 v18, v19;
	v9 =	vld [tilespmem:s20+$0x0]  }
0x33: {  	v10 =	vsel vm0, v14, v11;
	v12 =	vsel vm0, s22, v12;
	v14 =	vld [tilespmem:s18+$0x0]  }
0x34: {  	s22 =	sadd.s32 $0xFFFFFFFA, s19;
	vm0 =	vgt.f32 v8, v10;
	v13 =	vadd.f32 v13, v6;
	v11 =	vld [tilespmem:s20+$0x10]  }
0x35: {  	v10 =	vsel vm0, v8, v10;
	v12 =	vsel vm0, s22, v12;
	v17 =	vld [tilespmem:s18+$0x10]  }
0x36: {  	s22 =	sadd.s32 $0xFFFFFFFB, s19;
	vm0 =	vgt.f32 v13, v10;
	v16 =	vadd.f32 v16, v7;
	v8 =	vld [tilespmem:s20+$0x20]  }
.Ltmp0:
0x37: {  	v13 =	vsel vm0, v13, v10;
	v18 =	vsel vm0, s22, v12;
	v12 =	vld [tilespmem:s18+$0x20];
	(pc) =	sbr.rel @p0 .LBB2_3-.Ltmp0, $4  }
0x38: {  	s22 =	sadd.s32 $0xFFFFFFFC, s19;
	vm0 =	vgt.f32 v16, v13;
	v20 =	vadd.f32 v14, v9;
	v10 =	vld [tilespmem:s20+$0x30]  }
0x39: {  	s20 =	sadd.s32 $0x80, s20;
	v21 =	vsel vm0, v16, v13;
	v22 =	vsel vm0, s22, v18;
	v13 =	vld [tilespmem:s18+$0x30]  }
0x3a: {  	v15 =	vmax.f32 v15, v5;
	s22 =	sadd.s32 $0xFFFFFFFD, s19;
	s18 =	sadd.s32 $0x80, s18;
	v5 =	vld [tilespmem:s20+$0xFFFFFFC0];
	vm0 =	vgt.f32 v20, v21;
	v16 =	vadd.f32 v17, v11  }
0x3b: {  	s21 =	sadd.s32 $0x8, s21;
	v18 =	vmax.f32 v15, v19;
	v14 =	vld [tilespmem:s18+$0xFFFFFFC0];
	v17 =	vsel vm0, v20, v21;
	v15 =	vsel vm0, s22, v22  }
0x3c: {  	v6 =	vmax.f32 v18, v6  }
0x3d: {  	v6 =	vmax.f32 v6, v7  }
0x3e: {  	v7 =	vld [tilespmem:s20+$0xFFFFFFD0];
	v6 =	vmax.f32 v6, v9  }
0x3f: {  	v9 =	vld [tilespmem:s20+$0xFFFFFFE0];
	v6 =	vmax.f32 v6, v11  }
0x40: {  	v11 =	vld [tilespmem:s20+$0xFFFFFFF0];
	v6 =	vmax.f32 v6, v8  }
0x41: {  	v57 =	vld [tilespmem:s20+$0x0];
	v6 =	vmax.f32 v6, v10  }
0x42: {  	v19 =	vld [tilespmem:s20+$0x10];
	v6 =	vmax.f32 v6, v5  }
0x43: {  	v20 =	vld [tilespmem:s20+$0x20];
	v6 =	vmax.f32 v6, v7  }
0x44: {  	v21 =	vld [tilespmem:s20+$0x30];
	v6 =	vmax.f32 v6, v9  }
0x45: {  	v6 =	vmax.f32 v6, v11  }
0x46: {  	v6 =	vmax.f32 v6, v57  }
0x47: {  	v6 =	vmax.f32 v6, v19  }
0x48: {  	v6 =	vmax.f32 v6, v20  }
0x49: {  	v6 =	vmax.f32 v6, v21  }
0x4a: {  	(xrf0) =	vmax.scan.msk.f32 $0xffff, v6  }
0x4b: {  	vm0 =	vgt.f32 v16, v17;
	v6 =	vadd.f32 v12, v8  }
0x4c: {  	v8 =	vld [tilespmem:s18+$0xFFFFFFD0];
	v12 =	vsel vm0, v16, v17  }
0x4d: {  	s31 =	simm.s32 $0x0;
	v58 =	vld [tilespmem:s18+$0xFFFFFFE0];
	v10 =	vadd.f32 v13, v10;
	vm1 =	vgt.f32 v6, v12  }
0x4e: {  	v13 =	vld [tilespmem:s31+$0x0];
	v6 =	vsel vm1, v6, v12  }
0x4f: {  	v14 =	vadd.f32 v14, v5;
	v12 =	vld [tilespmem:s31+$0x10];
	vm2 =	vgt.f32 v10, v6  }
0x50: {  	v6 =	vsel vm2, v10, v6;
	v10 =	vld [tilespmem:s18+$0xFFFFFFF0];
	v5, _, _ =	vpop (xrf0)  }
0x51: {  	v7 =	vadd.f32 v8, v7;
	v8 =	vld [tilespmem:s31+$0x20];
	vm3 =	vgt.f32 v14, v6;
	v5 =	vbroadcast v5, $0xF  }
0x52: {  	s21 =	sadd.s32 $0xFFFFFFFE, s19;
	v9 =	vadd.f32 v58, v9;
	v6 =	vsel vm3, v14, v6  }
0x53: {  	v14 =	vsel vm0, s21, v15;
	v15 =	vld [tilespmem:s31+$0x30];
	vm9 =	vgt.f32 v7, v6;
	v13 =	vsub.f32 v13, v5  }
0x54: {  	v12 =	vsub.f32 v12, v5;
	v6 =	vsel vm9, v7, v6;
	v7 =	vld [tilespmem:s18+$0x0]  }
0x55: {  	s22 =	sadd.s32 $0xFFFFFFFF, s19;
	v10 =	vadd.f32 v10, v11;
	v11 =	vld [tilespmem:s31+$0x40];
	vm10 =	vgt.f32 v9, v6;
	v13 =	vmul.f32 $1.442695020e+00, v13  }
0x56: {  	v14 =	vsel vm1, s22, v14;
	v8 =	vsub.f32 v8, v5;
	v6 =	vsel vm10, v9, v6  }
0x57: {  	v12 =	vmul.f32 $1.442695020e+00, v12;
	v9 =	vld [tilespmem:s31+$0x50];
	vm11 =	vgt.f32 v10, v6;
	(erf) = vpow2.f32 v13  }
0x58: {  	v13 =	vsel vm2, s19, v14;
	v14 =	vsub.f32 v15, v5;
	v6 =	vsel vm11, v10, v6;
	v10 =	vld [tilespmem:s31+$0x60]  }
0x59: {  	s23 =	sadd.s32 $0xFFFFFFF9, s17;
	v8 =	vmul.f32 $1.442695020e+00, v8;
	(erf) = vpow2.f32 v12;
	v12 =	vld [tilespmem:s18+$0x10];
	v7 =	vadd.f32 v7, v57  }
0x5a: {  	s24 =	sadd.s32 $0xFFFFFFFA, s17;
	v13 =	vsel vm3, s23, v13;
	v11 =	vsub.f32 v11, v5;
	v14 =	vmul.f32 $1.442695020e+00, v14  }
0x5b: {  	(erf) = vpow2.f32 v8;
	v8 =	vsel vm9, s24, v13;
	v13 =	vld [tilespmem:s18+$0x20];
	vm12 =	vgt.f32 v7, v6  }
0x5c: {  	s25 =	sadd.s32 $0xFFFFFFFB, s17;
	v9 =	vsub.f32 v9, v5;
	v6 =	vsel vm12, v7, v6;
	v7 =	vld [tilespmem:s31+$0x70]  }
0x5d: {  	s28 =	simm.s32 $0x80;
	v8 =	vsel vm10, s25, v8;
	v11 =	vmul.f32 $1.442695020e+00, v11;
	(erf) = vpow2.f32 v14  }
0x5e: {  	s26 =	sadd.s32 $0xFFFFFFFC, s17;
	v15 =	vld [tilespmem:s28+$0x0];
	v10 =	vsub.f32 v10, v5;
	v9 =	vmul.f32 $1.442695020e+00, v9;
	v12 =	vadd.f32 v12, v19  }
0x5f: {  	v14 =	vld [tilespmem:s18+$0x30];
	v8 =	vsel vm11, s26, v8;
	(erf) = vpow2.f32 v11;
	v11 =	vimm.f32 $0.0e+00  }
0x60: {  	v10 =	vmul.f32 $1.442695020e+00, v10;
	v59 =	vpop (erf);
	(erf) = vpow2.f32 v9;
	v9 =	vadd.f32 v13, v20  }
0x61: {  	s29 =	sadd.s32 $0xFFFFFFFD, s17;
	v60 =	vld [tilespmem:s28+$0x10];
	vm13 =	vgt.f32 v12, v6;
	v7 =	vsub.f32 v7, v5;
	v11 =	vadd.f32 v59, v11  }
0x62: {  	v8 =	vsel vm12, s29, v8;
	v6 =	vsel vm13, v12, v6;
	v13 =	vld [tilespmem:s28+$0x20];
	v12 =	vpop (erf);
	(erf) = vpow2.f32 v10  }
0x63: {  	vm14 =	vgt.f32 v9, v6;
	v7 =	vmul.f32 $1.442695020e+00, v7;
	v11 =	vadd.f32 v12, v11  }
0x64: {  	s30 =	sadd.s32 $0xFFFFFFFE, s17;
	v10 =	vadd.f32 v14, v21;
	v14 =	vpop (erf);
	v12 =	vld [tilespmem:s28+$0x30];
	v6 =	vsel vm14, v9, v6;
	v9 =	vsub.f32 v15, v5  }
0x65: {  	s31 =	sadd.s32 $0xFFFFFFFF, s17;
	v8 =	vsel vm13, s30, v8;
	(erf) = vpow2.f32 v7;
	v11 =	vadd.f32 v14, v11  }
0x66: {  	v15 =	vld [tilespmem:s28+$0x40];
	v14 =	vsel vm14, s31, v8;
	v8 =	vsub.f32 v60, v5;
	v9 =	vmul.f32 $1.442695020e+00, v9  }
0x67: {  	v61 =	vpop (erf);
	v7 =	vsub.f32 v13, v5  }
0x68: {  	v62 =	vld [tilespmem:s28+$0x50];
	v11 =	vadd.f32 v61, v11;
	v8 =	vmul.f32 $1.442695020e+00, v8;
	(erf) = vpow2.f32 v9  }
0x69: {  	vm15 =	vgt.f32 v10, v6;
	v13 =	vpop (erf);
	v9 =	vsub.f32 v12, v5  }
0x6a: {  	v12 =	vmul.f32 $1.442695020e+00, v7;
	v11 =	vadd.f32 v13, v11;
	(erf) = vpow2.f32 v8;
	v8 =	vld [tilespmem:s28+$0x60]  }
0x6b: {  	v6 =	vsel vm15, v10, v6;
	v7 =	vpop (erf);
	v13 =	vsub.f32 v15, v5  }
0x6c: {  	v10 =	vld [tilespmem:s28+$0x70];
	v15 =	vmul.f32 $1.442695020e+00, v9;
	(erf) = vpow2.f32 v12;
	v63 =	vadd.f32 v7, v11  }
0x6d: {  	v7 =	vsel vm15, s17, v14;
	s17 =	simm.s32 $0x100;
	v11 =	vsub.f32 v62, v5;
	v14 =	vpop (erf)  }
0x6e: {  	s18 =	simm.s32 $0x600;
	v12 =	vmul.f32 $1.442695020e+00, v13;
	v9 =	vld [tilespmem:s17+$0x0];
	(erf) = vpow2.f32 v15;
	v13 =	vadd.f32 v14, v63  }
.LBB2_5:
0x6f: {  	p0 =	sne.s32 s18, $0x3E00;
	v8 =	vsub.f32 v8, v5;
	v14 =	vpop (erf)  }
0x70: {  	v16 =	vmul.f32 $1.442695020e+00, v11;
	v15 =	vld [tilespmem:s17+$0x10];
	(erf) = vpow2.f32 v12;
	v12 =	vadd.f32 v14, v13  }
0x71: {  	v10 =	vsub.f32 v10, v5;
	v13 =	vpop (erf)  }
0x72: {  	v8 =	vmul.f32 $1.442695020e+00, v8;
	v14 =	vld [tilespmem:s17+$0x20];
	v17 =	vadd.f32 v13, v12;
	(erf) = vpow2.f32 v16  }
0x73: {  	v9 =	vsub.f32 v9, v5;
	v11 =	vpop (erf)  }
0x74: {  	v10 =	vmul.f32 $1.442695020e+00, v10;
	v13 =	vld [tilespmem:s17+$0x30];
	v11 =	vadd.f32 v11, v17;
	(erf) = vpow2.f32 v8  }
0x75: {  	v8 =	vsub.f32 v15, v5;
	v12 =	vpop (erf)  }
0x76: {  	v9 =	vmul.f32 $1.442695020e+00, v9;
	v15 =	vld [tilespmem:s17+$0x40];
	v11 =	vadd.f32 v12, v11;
	(erf) = vpow2.f32 v10  }
0x77: {  	v10 =	vsub.f32 v14, v5;
	v12 =	vpop (erf)  }
0x78: {  	v17 =	vmul.f32 $1.442695020e+00, v8;
	v16 =	vld [tilespmem:s17+$0x50];
	(erf) = vpow2.f32 v9;
	v9 =	vadd.f32 v12, v11  }
0x79: {  	v11 =	vsub.f32 v13, v5;
	v12 =	vpop (erf)  }
.Ltmp1:
0x7a: {  	v13 =	vmul.f32 $1.442695020e+00, v10;
	v8 =	vld [tilespmem:s17+$0x60];
	(erf) = vpow2.f32 v17;
	v9 =	vadd.f32 v12, v9;
	(pc) =	sbr.rel @p0 .LBB2_5-.Ltmp1, $4  }
0x7b: {  	v12 =	vsub.f32 v15, v5;
	v14 =	vpop (erf)  }
0x7c: {  	v15 =	vmul.f32 $1.442695020e+00, v11;
	v10 =	vld [tilespmem:s17+$0x70];
	(erf) = vpow2.f32 v13;
	v13 =	vadd.f32 v14, v9  }
0x7d: {  	s17 =	sshra.s32 s18, $0x2;
	v11 =	vsub.f32 v16, v5;
	v14 =	vpop (erf)  }
0x7e: {  	s18 =	sadd.s32 $0x200, s18;
	v12 =	vmul.f32 $1.442695020e+00, v12;
	v9 =	vld [tilespmem:s17+$0x0];
	(erf) = vpow2.f32 v15;
	v13 =	vadd.f32 v14, v13  }
0x7f: {  	(xrf0) =	vmax.scan.msk.f32 $0xffff, v6  }
0x80: {  	v14 =	vpop (erf)  }
0x81: {  	v11 =	vmul.f32 $1.442695020e+00, v11;
	v13 =	vadd.f32 v14, v13;
	(erf) = vpow2.f32 v12  }
0x82: {  	v15 =	vld [tilespmem:s17+$0x10];
	v39 =	vpop (erf)  }
0x83: {  	v8 =	vsub.f32 v8, v5;
	(erf) = vpow2.f32 v11;
	v12 =	vadd.f32 v39, v13  }
0x84: {  	v40 =	vld [tilespmem:s17+$0x20];
	v10 =	vsub.f32 v10, v5;
	v41 =	vpop (erf)  }
0x85: {  	v7 =	vshll.u32 v7, $0x4;
	v8 =	vmul.f32 $1.442695020e+00, v8;
	v11 =	vadd.f32 v41, v12;
	v42, _, _ =	vpop (xrf0)  }
0x86: {  	v9 =	vsub.f32 v9, v5;
	v10 =	vmul.f32 $1.442695020e+00, v10;
	v45 =	vpop (erf);
	v12 =	vbroadcast v42, $0xF  }
0x87: {  	(erf) = vpow2.f32 v8;
	v44 =	vsub.f32 v15, v5;
	v11 =	vadd.f32 v45, v11  }
0x88: {  	v43 =	vld [tilespmem:s17+$0x30];
	v9 =	vmul.f32 $1.442695020e+00, v9;
	(erf) = vpow2.f32 v10;
	v47 =	vpop (erf);
	vm0 =	veq.f32 v6, v12  }
0x89: {  	v6 =	vxor.u32 v1, v7;
	v7 =	vsub.f32 v40, v5;
	v49 =	vadd.f32 v47, v11  }
0x8a: {  	v46 =	vld [tilespmem:s17+$0x40];
	v8 =	vmul.f32 $1.442695020e+00, v44;
	v6 =	vnsel vm0, $0x80001000, v6;
	v50 =	vpop (erf)  }
0x8b: {  	v48 =	vld [tilespmem:s17+$0x50];
	(erf) = vpow2.f32 v9;
	(xrf0) =	vmin.scan.msk.u32 $0xffff, v6;
	v7 =	vmul.f32 $1.442695020e+00, v7;
	v52 =	vadd.f32 v50, v49  }
0x8c: {  	(erf) = vpow2.f32 v8;
	v54 =	vpop (erf)  }
0x8d: {  	v6 =	vsub.f32 v43, v5;
	(erf) = vpow2.f32 v7;
	v7 =	vadd.f32 v54, v52;
	_ =	sdelay $0x1  }
0x8e: {  	v51 =	vld [tilespmem:s17+$0x60];
	v6 =	vmul.f32 $1.442695020e+00, v6  }
0x8f: {  	v55 =	vld [tilespmem:s17+$0x70];
	v53 =	vsub.f32 v46, v5;
	v56 =	vsub.f32 v48, v5;
	v57 =	vpop (erf)  }
0x90: {  	(erf) = vpow2.f32 v6;
	v6 =	vadd.f32 v57, v7;
	v7, _, _ =	vpop (xrf0)  }
0x91: {  	v9 =	vmul.f32 $1.442695020e+00, v53;
	v59 =	vpop (erf);
	(v2sf) =	vpush v7, $0xF;
	v7 =	vmul.f32 $1.442695020e+00, v56  }
0x92: {  	v6 =	vadd.f32 v59, v6  }
0x93: {  	v58 =	vsub.f32 v51, v5;
	(erf) = vpow2.f32 v9;
	v61 =	vpop (erf)  }
0x94: {  	v60 =	vsub.f32 v55, v5;
	v6 =	vadd.f32 v61, v6  }
0x95: {  	v62 =	vmul.f32 $1.442695020e+00, v58;
	(erf) = vpow2.f32 v7;
	v7 =	vpop (erf)  }
0x96: {  	v6 =	vadd.f32 v7, v6;
	v7 =	vmul.f32 $1.442695020e+00, v60  }
0x97: {  	(erf) = vpow2.f32 v62  }
0x98: {  	v63 =	vpop (erf)  }
0x99: {  	v6 =	vadd.f32 v63, v6;
	(erf) = vpow2.f32 v7  }
0x9a: {  	v7 =	vpop (erf)  }
0x9b: {  	v6 =	vadd.f32 v7, v6  }
0x9c: {  	v7 =	vpop (erf)  }
0x9d: {  	v6 =	vadd.f32 v7, v6  }
0x9e: {  	v7 =	vpop (erf)  }
0x9f: {  	v6 =	vadd.f32 v7, v6  }
0xa0: {  	v7 =	vpop (erf)  }
0xa1: {  	s31 =	spop (v2sf);
	v6 =	vadd.f32 v7, v6  }
0xa2: {  	v7 =	vpop (erf);
	s17 =	sxor.u32 $0x80000000, s31  }
0xa3: {  	v6 =	vadd.f32 v7, v6;
	v7 =	vmov s17;
	_ =	sdelay $0x1  }
0xa4: {  	(xrf2) =	vadd.scan.msk.f32 $0xffff, v6;
	_ =	sdelay $0x2  }
0xa5: {  	v6 =	vld.idx.msk [tilespmem:v7+s2+$0x0], $0xffff;
	_ =	sdelay $0x4  }
0xa6: {  	v5 =	vsub.f32 v6, v5;
	_ =	sdelay $0x1  }
0xa7: {  	v6, _, _ =	vpop (xrf2);
	v5 =	vmul.f32 $1.442695020e+00, v5  }
0xa8: {  	v6 =	vbroadcast v6, $0xF  }
0xa9: {  	(erf) = vpow2.f32 v5  }
0xaa: {  	(erf) = vrcp.f32 v6;
	_ =	sdelay $0x5  }
0xab: {  	v7 =	vmov s16;
	s16 =	sadd.s32 $0x1, s16  }
0xac: {  	p0 =	sne.s32 s16, $0x10  }
.Ltmp2:
0xad: {  	v5 =	vpop (erf);
	(pc) =	sbr.rel @p0 .LBB2_2-.Ltmp2, $4  }
0xae: {  	v6 =	vpop (erf)  }
0xaf: {  	v5 =	vmul.f32 v5, v6  }
0xb0: {  	vm15 =	veq.s32 v7, v0  }
0xb1: {  	v4 =	vsel vm15, s17, v4;
	v2 =	vsel vm15, v5, v2  }
0xb2: {  	[tilespmem:$0x2000] =	vst v4  }
0xb3: {  	[tilespmem:$0x2080] =	vst v2  }
0xb4: {  	[hbm4b:s6+s2] =	stream.linear.scatter [tilespmem:s13], [sflag:$0x1], $0x10, $0x38;
	[tilespmem:$0x2100] =	vst v63  }
0xb5: {  	s15 =	sadd.s32 $0x1, s15;
	_ =	swait.ge [sflag:s11], $0x10  }
0xb6: {  	p0 =	sne.s32 s15, s8;
	[sflag:s11] =	ssyncset.done $0x0  }
.Ltmp3:
0xb7: {  	[sflag:s11] =	ssyncadd.s32 $0xFFFFFFF0;
	(pc) =	sbr.rel @p0 .LBB2_1-.Ltmp3, $4  }
0xb8: {  	[hbm4b:s7+s2] =	stream.linear.scatter [tilespmem:s14], [sflag:$0x1], $0x10, $0x38;
	[tilespmem:$0x2100] =	vst v63  }
0xb9: {  	_ =	swait.ge [sflag:s11], $0x10  }
0xba: {  	[sflag:s11] =	ssyncset.done $0x0  }
0xbb: {  	[sflag:s11] =	ssyncadd.s32 $0xFFFFFFF0  }
0xbc: {  	_ =	sfence.sel $0x180000  }
0xbd: {  	[bflag:$0x0] =	sbarrier.arrive $0xFFFF  }
0xbe: {  	p0 =	sne.s32 s1, $0x0;
	_ =	strace $0x90000047  }
0xbf: {  	s0 =	sadd.s32 @!p0 $0x100000, s0;
	[bflag:$0x2] =	sbarrier.arrive $0xFFFF  }
0xc0: {  	[sflag:s0] =	ssyncadd.tile.s32 @!p0 $0x1;
	_ =	shalt  }
.Lfunc_end2:
_tile_overlayer_lowered:
.L_overlay_start_2:
0xc1: {  	(tag) =	ssettag $0x2  }
0xc2: {  	s0 =	rddreg [dreg:$0x0];
	s2 =	stileid.u32  }
0xc3: {  	s1 =	rddreg [dreg:$0x1];
	p0 =	sne.s32 s2, $0x0  }
0xc4: {  	s3 =	rddreg [dreg:$0x2];
	[bflag:$0x3] =	sbarrier.arrive $0xFFFF;
	s2 =	simm.s32 @!p0 $0x1C01  }
0xc5: {  	[timem:s3], [sflag:s2] =	dma.local @!p0 [hbm:s0], s1  }
0xc6: {  	s0 =	simm.s32 @!p0 $0x1  }
0xc7: {  	_ =	swait.ge @!p0 [sflag:s0], s1  }
0xc8: {  	s1 =	ssub.s32 @!p0 $0x0, s1;
	[sflag:s0] =	ssyncset.done @!p0 $0x0  }
0xc9: {  	[sflag:s0] =	ssyncadd.s32 @!p0 s1  }
0xca: {  	[bflag:$0x3] =	sbarrier.arrive $0xFFFF  }
0xcb: {  	_ =	shalt  }

</sc_bundles>
